<compile_context>
chip_gen: v7x
topology: tpu7x:2x2x1
jax: 0.10.2.dev20260603
libtpu: 0.0.44.dev20260713+nightly
codegen_flags: <defaults>
</compile_context>

<pallas_src>
import jax
import jax.numpy as jnp
from jax.experimental import pallas as pl
from jax.experimental.pallas import tpu as pltpu

NX, NY, NF = 512, 512, 64
TOPK = 2000
PER = 12000


def _conv(x, w):
    return jax.lax.conv_general_dilated(
        x, w, (1, 1), ((1, 1), (1, 1)),
        dimension_numbers=('NCHW', 'OIHW', 'NCHW'))


def _bn(x, g, b, eps=1e-3):
    m = x.mean(axis=(0, 2, 3), keepdims=True)
    v = x.var(axis=(0, 2, 3), keepdims=True)
    return (x - m) / jnp.sqrt(v + eps) * g.reshape(1, -1, 1, 1) + b.reshape(1, -1, 1, 1)


def _token_pallas(x):
    def body(x_ref, o_ref):
        o_ref[...] = x_ref[...]
    return pl.pallas_call(
        body, out_shape=jax.ShapeDtypeStruct(x.shape, x.dtype))(x)


def kernel(pillar_features, voxel_cls, W1, g1, b1, W2, g2, b2, voxel_coords):
    P = pillar_features.shape[0]
    batch_size = voxel_coords.shape[0] // PER
    per = P // batch_size
    spatial_list, idx_list = [], []
    for bi in range(batch_size):
        c = voxel_coords[bi * per:(bi + 1) * per]
        ind = c[:, 1] + c[:, 2] * NX + c[:, 3]
        pillars = pillar_features[bi * per:(bi + 1) * per].T
        sp = jnp.zeros((NF, NX * NY), pillar_features.dtype).at[:, ind].set(pillars)
        spatial_list.append(sp)
        idx_list.append(ind)
    batch_sp = jnp.stack(spatial_list, 0).reshape(batch_size, NF, NY, NX)
    h = _conv(batch_sp, W1)
    h = _bn(h, g1, b1)
    h = jax.nn.relu(h)
    h = _conv(h, W2)
    h = _bn(h, g2, b2)
    s = jax.nn.sigmoid(h)

    outs, sels, scores = [], [], []
    for bi in range(batch_size):
        ind = idx_list[bi]
        feats = s[bi].reshape(-1)[ind]
        score, index = jax.lax.top_k(feats, TOPK)
        cls = voxel_cls[bi * per:(bi + 1) * per][index].sum(axis=1, keepdims=True)
        pidx = ind[index]
        sf1 = batch_sp[bi].reshape(NF, -1)
        red = jnp.zeros((NF, NX * NY), pillar_features.dtype).at[:, pidx].set(sf1[:, pidx])
        outs.append(red)
        sels.append(cls)
        scores.append(score)
    out = jnp.stack(outs, 0).reshape(batch_size, NF, NY, NX)
    return out, jnp.stack(sels, 0), _token_pallas(jnp.stack(scores, 0))

# --- scband reference (transcript-rebuilt; emitter-appended) ---
"""Pipeline reference for scband-point-pillar-scatter-24833500905874 (READ-ONLY COPY).

The authoritative reference and input builder live on the scoring server;
editing this copy changes nothing except your own understanding.
"""

import jax, jax.numpy as jnp
import numpy as np

NX, NY, NF = 512, 512, 64
TOPK = 2000
B, PER = 2, 12000

def _conv(x, w):
    return jax.lax.conv_general_dilated(x, w, (1, 1), ((1, 1), (1, 1)), dimension_numbers=('NCHW', 'OIHW', 'NCHW'))

def _bn(x, g, b, eps=1e-3):
    m = x.mean(axis=(0, 2, 3), keepdims=True)
    v = x.var(axis=(0, 2, 3), keepdims=True)
    return (x - m) / jnp.sqrt(v + eps) * g.reshape(1, -1, 1, 1) + b.reshape(1, -1, 1, 1)

def setup_inputs(seed: int = 0):
    key = jax.random.key(seed)
    k1, k2, k3, k4, k5, k6 = jax.random.split(key, 6)
    P = B * PER
    pillar_features = jax.random.normal(k1, (P, NF), dtype=jnp.float32)
    c0 = jnp.repeat(jnp.arange(B, dtype=jnp.int32), PER)
    c1 = jnp.zeros((P,), dtype=jnp.int32)
    c2 = jax.random.randint(k2, (P,), 0, NY, dtype=jnp.int32)
    c3 = jax.random.randint(k3, (P,), 0, NX, dtype=jnp.int32)
    voxel_coords = jnp.stack([c0, c1, c2, c3], axis=1)
    voxel_cls = jax.random.uniform(k4, (P, 3), dtype=jnp.float32)
    W1 = jax.random.normal(k5, (8, NF, 3, 3), dtype=jnp.float32) * 0.05
    W2 = jax.random.normal(k6, (1, 8, 3, 3), dtype=jnp.float32) * 0.05
    g1 = jnp.ones((8,), jnp.float32); b1 = jnp.zeros((8,), jnp.float32)
    g2 = jnp.ones((1,), jnp.float32); b2 = jnp.zeros((1,), jnp.float32)
    return {'pillar_features': pillar_features, 'voxel_cls': voxel_cls, 'W1': W1, 'g1': g1, 'b1': b1, 'W2': W2, 'g2': g2, 'b2': b2, 'voxel_coords': voxel_coords}

def reference(pillar_features, voxel_cls, W1, g1, b1, W2, g2, b2, voxel_coords):
    P = pillar_features.shape[0]
    batch_size = voxel_coords.shape[0] // PER
    per = P // batch_size
    spatial_list, idx_list = [], []
    for bi in range(batch_size):
        c = voxel_coords[bi * per:(bi + 1) * per]
        ind = c[:, 1] + c[:, 2] * NX + c[:, 3]
        pillars = pillar_features[bi * per:(bi + 1) * per].T
        sp = jnp.zeros((NF, NX * NY), pillar_features.dtype).at[:, ind].set(pillars)
        spatial_list.append(sp); idx_list.append(ind)
    batch_sp = jnp.stack(spatial_list, 0).reshape(batch_size, NF, NY, NX)
    h = _conv(batch_sp, W1); h = _bn(h, g1, b1); h = jax.nn.relu(h)
    h = _conv(h, W2); h = _bn(h, g2, b2); s = jax.nn.sigmoid(h)
    outs, sels, scores = [], [], []
    for bi in range(batch_size):
        ind = idx_list[bi]
        feats = s[bi].reshape(-1)[ind]
        score, index = jax.lax.top_k(feats, TOPK)
        cls = voxel_cls[bi * per:(bi + 1) * per][index].sum(axis=1, keepdims=True)
        pidx = ind[index]
        sf1 = batch_sp[bi].reshape(NF, -1)
        red = jnp.zeros((NF, NX * NY), pillar_features.dtype).at[:, pidx].set(sf1[:, pidx])
        outs.append(red); sels.append(cls); scores.append(score)
    out = jnp.stack(outs, 0).reshape(batch_size, NF, NY, NX)
    return out, jnp.stack(sels, 0), jnp.stack(scores, 0)

if __name__ == "__main__":
    import jax
    _d = setup_inputs()
    print(jax.jit(kernel)(*tuple(_d.values())))

</pallas_src>

<mosaic_0001>
module attributes {stable_mosaic.version = 14 : i64} {
  func.func @body(%arg0: memref<2x2000xf32, #tpu.memory_space<vmem>>, %arg1: memref<2x2000xf32, #tpu.memory_space<vmem>>) attributes {dimension_semantics = [], scalar_prefetch = 0 : i64, scratch_operands = 0 : i64, tpu.core_type = #tpu.core_type<tc>} {
    %get3A = arith.constant 0 : index
    %get3A_0 = arith.constant 0 : index
    %get3A_1 = vector.load %arg0[%get3A, %get3A_0] : memref<2x2000xf32, #tpu.memory_space<vmem>>, vector<2x2000xf32>
    %swap3A = arith.constant 0 : index
    %swap3A_2 = arith.constant 0 : index
    %swap3A_3 = vector.load %arg1[%swap3A, %swap3A_2] : memref<2x2000xf32, #tpu.memory_space<vmem>>, vector<2x2000xf32>
    tpu.vector_store %arg1[%swap3A, %swap3A_2], %get3A_1 {strides = array<i32>} : memref<2x2000xf32, #tpu.memory_space<vmem>>, vector<2x2000xf32>,
    return
  }
}

</mosaic_0001>

<sc_bundles>
// kernel: gather_offload_async_start.1
scs
__scs_entry_jumppad:
0x0: {  	(pc) =	sbr.rel $0x88, $3  }
0x1: {  	(tag) =	ssettag $0x0;
	lr =	simm.s32 $0x1  }
0x2: {  	[smem:$0x3F98] =	sst lr;
	_ =	strace $0xD0000000  }
0x3: {  	_ = 	snop  }
0x4: {  	_ = 	snop  }
0x5: {  	_ = 	snop  }
0x6: {  	_ = 	snop  }
0x7: {  	_ = 	snop  }
__scs_overlays_trampoline_lowered:
0x8: {  	[smem:$0x3FA7] =	sst s0  }
0x9: {  	[smem:$0x3FA8] =	sst s1  }
0xa: {  	[smem:$0x3FA9] =	sst s2  }
0xb: {  	[smem:$0x3FAA] =	sst s3  }
0xc: {  	[smem:$0x3FAB] =	sst s4  }
0xd: {  	[smem:$0x3FAC] =	sst s5  }
0xe: {  	[smem:$0x3FAD] =	sst s6  }
0xf: {  	[smem:$0x3FAE] =	sst s7  }
0x10: {  	[smem:$0x3FAF] =	sst s8  }
0x11: {  	[smem:$0x3FB0] =	sst s9;
	s0 =	simm.s32 @!p0 $0x0  }
0x12: {  	s1 =	sld [smem:$0x3F96];
	s0 =	simm.s32 @p0 $0x1  }
0x13: {  	[smem:$0x3FB1] =	sst s0;
	s0 =	simm.s32 @!p1 $0x0  }
0x14: {  	s2 =	sld [smem:$0x3F95];
	s0 =	simm.s32 @p1 $0x1  }
0x15: {  	[smem:$0x3FB2] =	sst s0;
	s0 =	simm.s32 @!p2 $0x0  }
0x16: {  	s3 =	sld [smem:$0x3FDB];
	s0 =	simm.s32 @p2 $0x1  }
0x17: {  	s4 =	simm.s32 $0x1BF5;
	[smem:$0x3FB4] =	sst s0  }
0x18: {  	s0 =	sld [smem:$0x3F97];
	_ =	swait.ge [sflag:s4], $0x0  }
0x19: {  	s7 =	sld [smem:$0x3F98]  }
0x1a: {  	s8 =	sadd.s32 $0xFFFFE003, lr  }
0x1b: {  	s9 =	sadd.s32 $0xFFFFFEF7, lr;
	s5 =	simm.s32 $0xFFFFFFFF;
	p2 =	slt.u32 s8, $0xFFFFF086  }
0x1c: {  	p1 =	slt.u32 s9, $0xF7A;
	s5 =	simm.s32 @!p2 $0x0  }
0x1d: {  	s5 =	simm.s32 @p1 $0x1;
	p0 =	seq.s32 s7, s2  }
0x1e: {  	s7 =	smul.u32 @!p0 $0xF7A, s2;
	p2 =	seq.s32 @!p0 s5, $0x0  }
0x1f: {  	s9 =	smul.u32 $0xF7A, s1;
	s8 =	simm.s32 @!p0 $0x1BF5;
	p2 =	por !p2, p0  }
0x20: {  	[sflag:s8] =	ssyncset.s32 @!p0 $0xFFFFF086;
	s6 =	sadd.s32 @!p0 s3, s7;
	s7 =	simm.s32 @!p0 $0x108  }
0x21: {  	s3 =	sadd.s32 s3, s9;
	s6 =	sadd.s32 @!p0 $0x88, s6;
	s7 =	simm.s32 @p2 $0x1082  }
0x22: {  	[simem:s7], [sflag:s8] =	dma.local @!p0 [hbm:s6], $0xF7A  }
0x23: {  	s9 =	sor.u32 $0xD0000000, s2;
	s6 =	simm.s32 $0x108;
	_ =	swait.ge @!p0 [sflag:s8], $0x0  }
0x24: {  	s3 =	sadd.s32 $0x88, s3;
	s6 =	simm.s32 @!p1 $0x1082;
	[sflag:s4] =	ssyncset.s32 $0xFFFFF086  }
0x25: {  	[simem:s6], [sflag:s4] =	dma.local [hbm:s3], $0xF7A  }
0x26: {  	[smem:$0x3F98] =	sst s1;
	(tag) =	ssettag s2;
	_ =	strace s9  }
0x27: {  	s1 =	sld [smem:$0x3FA8]  }
0x28: {  	s2 =	sld [smem:$0x3FA9]  }
0x29: {  	s4 =	sld [smem:$0x3FAB]  }
0x2a: {  	p0 =	seq.s32 s5, $0x0;
	s5 =	sld [smem:$0x3FAC]  }
0x2b: {  	s6 =	sld [smem:$0x3FAD]  }
0x2c: {  	s7 =	sld [smem:$0x3FAE]  }
0x2d: {  	s3 =	simm.s32 $0x108;
	s8 =	sld [smem:$0x3FAF]  }
0x2e: {  	s3 =	simm.s32 @!p0 $0x1082;
	s9 =	sld [smem:$0x3FB0]  }
0x2f: {  	lr =	sadd.s32 s0, s3;
	s0 =	sld [smem:$0x3FA7]  }
0x30: {  	s3 =	sld [smem:$0x3FAA]  }
0x31: {  	[smem:$0x3FB3] =	sst s10  }
0x32: {  	s10 =	sld [smem:$0x3FB1];
	_ =	sdelay $0x3  }
0x33: {  	p0 =	seq.s32 s10, $0x1;
	s10 =	sld [smem:$0x3FB3];
	_ =	sdelay $0x3  }
0x34: {  	[smem:$0x3FB3] =	sst s10  }
0x35: {  	s10 =	sld [smem:$0x3FB2];
	_ =	sdelay $0x3  }
0x36: {  	p1 =	seq.s32 s10, $0x1;
	s10 =	sld [smem:$0x3FB3];
	_ =	sdelay $0x3  }
0x37: {  	[smem:$0x3FB3] =	sst s10  }
0x38: {  	s10 =	sld [smem:$0x3FB4]  }
0x39: {  	_ = 	snop;
	(pc) =	sbr.ind lr, $3  }
0x3a: {  	_ = 	snop  }
0x3b: {  	_ = 	snop  }
0x3c: {  	p2 =	seq.s32 s10, $0x1;
	s10 =	sld [smem:$0x3FB3]  }
0x3d: {  	_ =	shalt  }
0x3e: {  	_ =	shalt  }
0x3f: {  	_ =	shalt  }
0x40: {  	_ =	shalt  }
0x41: {  	_ =	shalt  }
0x42: {  	_ =	shalt  }
0x43: {  	_ =	shalt  }
0x44: {  	_ =	shalt  }
0x45: {  	_ =	shalt  }
0x46: {  	_ =	shalt  }
0x47: {  	_ =	shalt  }
0x48: {  	_ =	shalt  }
0x49: {  	_ =	shalt  }
0x4a: {  	_ =	shalt  }
0x4b: {  	_ =	shalt  }
0x4c: {  	_ =	shalt  }
0x4d: {  	_ =	shalt  }
0x4e: {  	_ =	shalt  }
0x4f: {  	_ =	shalt  }
0x50: {  	_ =	shalt  }
0x51: {  	_ =	shalt  }
0x52: {  	_ =	shalt  }
0x53: {  	_ =	shalt  }
0x54: {  	_ =	shalt  }
0x55: {  	_ =	shalt  }
0x56: {  	_ =	shalt  }
0x57: {  	_ =	shalt  }
0x58: {  	_ =	shalt  }
0x59: {  	_ =	shalt  }
0x5a: {  	_ =	shalt  }
0x5b: {  	_ =	shalt  }
0x5c: {  	_ =	shalt  }
0x5d: {  	_ =	shalt  }
0x5e: {  	_ =	shalt  }
0x5f: {  	_ =	shalt  }
0x60: {  	_ =	shalt  }
0x61: {  	_ =	shalt  }
0x62: {  	_ =	shalt  }
0x63: {  	_ =	shalt  }
0x64: {  	_ =	shalt  }
0x65: {  	_ =	shalt  }
0x66: {  	_ =	shalt  }
0x67: {  	_ =	shalt  }
0x68: {  	_ =	shalt  }
0x69: {  	_ =	shalt  }
0x6a: {  	_ =	shalt  }
0x6b: {  	_ =	shalt  }
0x6c: {  	_ =	shalt  }
0x6d: {  	_ =	shalt  }
0x6e: {  	_ =	shalt  }
0x6f: {  	_ =	shalt  }
0x70: {  	_ =	shalt  }
0x71: {  	_ =	shalt  }
0x72: {  	_ =	shalt  }
0x73: {  	_ =	shalt  }
0x74: {  	_ =	shalt  }
0x75: {  	_ =	shalt  }
0x76: {  	_ =	shalt  }
0x77: {  	_ =	shalt  }
0x78: {  	_ =	shalt  }
0x79: {  	_ =	shalt  }
0x7a: {  	_ =	shalt  }
0x7b: {  	_ =	shalt  }
0x7c: {  	_ =	shalt  }
0x7d: {  	_ =	shalt  }
0x7e: {  	_ =	shalt  }
0x7f: {  	_ =	shalt  }
0x80: {  	_ =	shalt  }
0x81: {  	_ =	shalt  }
0x82: {  	_ =	shalt  }
0x83: {  	_ =	shalt  }
0x84: {  	_ =	shalt  }
0x85: {  	_ =	shalt  }
0x86: {  	_ =	shalt  }
0x87: {  	_ =	shalt  }
.Lfunc_end0:
.L_simem_size_0:
called_computation.3_lowered:
.L_overlay_start_0:
0x88: {  	s0 =	sld [smem:$0x3FD9]  }
0x89: {  	s1 =	sld [smem:$0x3FFE];
	_ =	sdelay $0x3  }
0x8a: {  	s0 =	sadd.s32 s1, s0  }
0x8b: {  	[smem:$0x3FBF] =	sst s0  }
0x8c: {  	_ = 	snop  }
0x8d: {  	(tm) =	ssettm $0x1  }
0x8e: {  	s15 =	sld [smem:$0x3FFB];
	_ =	sdelay $0x3  }
0x8f: {  	_ =	strace s15  }
0x90: {  	s0 =	sld [smem:$0x3FFC];
	_ =	sdelay $0x3  }
0x91: {  	_ =	strace s0  }
0x92: {  	s0 =	sld [smem:$0x3FFD];
	_ =	sdelay $0x3  }
0x93: {  	_ =	strace s0  }
0x94: {  	_ =	strace $0x8FFFFFFF  }
0x95: {  	s16 =	sld [smem:$0x3FDB];
	_ =	sdelay $0x1  }
0x96: {  	s17 =	simm.s32 $_scs_section_size  }
0x97: {  	s2 =	simm.s32 $_size__tile_overlayer_lowered;
	s3 =	simm.s32 $_tile_overlayer_lowered  }
0x98: {  	s20 =	simm.s32 $0x1BFF;
	s19 =	sshll.u32 s3, $0x1;
	s0 =	sadd.s32 s17, s16  }
0x99: {  	s4 =	simm.s32 $0x0;
	s18 =	sshll.u32 s2, $0x1;
	s2 =	sadd.s32 s19, s0  }
0x9a: {  	[timem:s4], [sflag:s20] =	dma.local [hbm:s2], s18  }
0x9b: {  	_ =	swait.ge [sflag:s20], s18  }
0x9c: {  	s1 =	ssub.s32 $0x0, s18;
	[sflag:s20] =	ssyncset.done $0x0  }
0x9d: {  	[sflag:s20] =	ssyncadd.s32 s1;
	_ =	sdelay $0x1  }
0x9e: {  	s21 =	simm.s32 $0x1B8B  }
0x9f: {  	_ =	swait.ge [sflag:s21], $0x1  }
0xa0: {  	[sflag:s21] =	ssyncset.done $0x0  }
0xa1: {  	s23 =	simm.s32 $0x1B8E;
	s22 =	sld [smem:$0x3FFE];
	[sflag:s21] =	ssyncadd.s32 $0xFFFFFFFF  }
0xa2: {  	s24 =	simm.s32 $execute0_lowered;
	[smem:$0x3FD2] =	sst s23  }
0xa3: {  	s2 =	sshll.u32 s24, $0x1;
	_ =	strace $0x80000058;
	[dreg:$0x1] =	wrdreg $0xFFFFFFFF  }
0xa4: {  	s25 =	simm.s32 $_size_execute0_lowered;
	s0 =	sadd.s32 s0, s2;
	[dreg:$0x0] =	wrdreg $0x0  }
0xa5: {  	s2 =	sshll.u32 s25, $0x1;
	[dreg:$0x2] =	wrdreg s0  }
0xa6: {  	[dreg:$0x3] =	wrdreg s2  }
0xa7: {  	[dreg:$0x4] =	wrdreg $0xC0  }
0xa8: {  	_ =	task [dreg:s4], $0x5FFFF  }
0xa9: {  	[dreg:$0x1] =	wrdreg $0xFFFFFFFF  }
0xaa: {  	[dreg:$0x0] =	wrdreg $0x60  }
0xab: {  	[dreg:$0x2] =	wrdreg s22  }
0xac: {  	[dreg:$0x3] =	wrdreg $0x9  }
0xad: {  	_ =	task.clear_ibuf [dreg:s4], $0x4FFFF;
	_ =	strace $0x90000058  }
0xae: {  	s26 =	simm.s32 $0x9;
	_ =	strace $0x8000005A  }
0xaf: {  	_ =	swait.ge [sflag:s26], $0x1  }
0xb0: {  	[sflag:s26] =	ssyncadd.s32 $0xFFFFFFFF  }
0xb1: {  	_ =	strace $0x9000005A  }
0xb2: {  	_ =	sfence  }
0xb3: {  	s28 =	sld [smem:$0x0];
	_ =	sdelay $0x1  }
0xb4: {  	s29 =	srdreg.scid  }
0xb5: {  	s30 =	sshll.u32 s29, $0xD;
	s31 =	sshrl.u32 s29, $0x2  }
0xb6: {  	s1 =	sand.u32 $0x1, s29;
	s2 =	sand.u32 $0x4000, s30;
	s0 =	sadd.s32 s31, s28  }
0xb7: {  	s1 =	sor.u32 s2, s1;
	s0 =	sshll.u32 s0, $0x11  }
0xb8: {  	s0 =	sor.u32 s0, s1  }
0xb9: {  	s0 =	sadd.s32 $0x8F2B, s0  }
0xba: {  	[sflag:s0] =	ssyncadd.remote.s32 $0x1  }
0xbb: {  	_ =	sfence.sel $0xFFFF  }
0xbc: {  	[dreg:$0x0] =	wrdreg $0xFFFFFFFF;
	(pc) =	sbr.abs _section_cstart, $3  }
0xbd: {  	[dreg:$0x1] =	wrdreg $0xFFFFFFFF  }
0xbe: {  	_ =	task.clear_ibuf [dreg:s4], $0x2FFFF;
	_ =	strace $0x9FFFFFFF  }
0xbf: {  	(tm) =	ssettm $0x7FFFFFFF  }
tec
execute0_lowered:
.L_overlay_start_1:
0x0: {  	(tag) =	ssettag $0x1  }
0x1: {  	s0 =	stileid.u32  }
0x2: {  	s1 =	smin.u32 s0, $0x9  }
0x3: {  	s1 =	sadd.s32 s0, s1  }
0x4: {  	p0 =	slt.u32 s0, $0x9;
	s2 =	smul.u32 $0x50, s1;
	s1 =	simm.s32 $0xA0  }
0x5: {  	s1 =	simm.s32 @!p0 $0x50  }
0x6: {  	s1 =	sadd.s32 s1, s2  }
0x7: {  	s3 =	smin.u32 s1, $0x7D0  }
0x8: {  	s7 =	ssub.s32 s3, s2  }
0x9: {  	p0 =	sgt.s32 s7, $0x0  }
0xa: {  	s7 =	simm.s32 @!p0 $0x0  }
0xb: {  	s4 =	smul.u32 $0xCCCD, s7  }
0xc: {  	s9 =	rddreg [dreg:$0x0];
	s6 =	simm.s32 $0x1;
	s11 =	simm.s32 $0x3  }
0xd: {  	s13 =	simm.s32 $0x0;
	s12 =	simm.s32 $0x0;
	s8 =	sshrl.u32 s4, $0x16  }
0xe: {  	s1 =	rddreg [dreg:$0x1];
	_ =	strace $0x80000059;
	s10 =	smul.u32 $0x50, s8  }
.Ltmp0:
0xf: {  	s5 =	sadd.s32 $0x401E00, s9;
	[sflag:s6] =	ssyncpa.u1 $0x0;
	(pc) =	sbr.rel .LBB2_1-.Ltmp0, $4  }
0x10: {  	s4 =	sadd.s32 $0x411C00, s9;
	p0 =	sne.s32 s7, s10;
	s10 =	simm.s32 $0x1  }
0x11: {  	s9 =	sadd.s32 $0x440A00, s9;
	s7 =	simm.s32 $0x2;
	s10 =	simm.s32 @!p0 $0x0  }
0x12: {  	[sflag:s7] =	ssyncpa.u1 $0x0;
	p0 =	por $0x0, $0x0;
	s8 =	sadd.s32 s8, s10  }
0x13: {  	vm0 =	vmmov $0xff;
	vm1 =	vcmask $0x3F20;
	[sflag:s11] =	ssyncpa.u1 $0x0;
	s11 =	smov.u32 s2;
	s10 =	sadd.s32 $0x1, s8  }
.LBB2_6:
0x14: {  	[hbm:s17] =	stream.linear.scatter [tilespmem:s14], [sflag:$0x3], $0x400, $0x38;
	[tilespmem:$0x50A0] =	vst v63  }
.LBB2_7:
0x15: {  	s13 =	sadd.s32 $0x50, s11  }
0x16: {  	s15 =	smov.u32 s2;
	p2 =	slt.s32 s13, s3  }
0x17: {  	s15 =	smov.u32 @p2 s13;
	p2 =	sne.s32 s12, s10  }
.Ltmp1:
0x18: {  	p1 =	slt.u32 s12, $0x2;
	(pc) =	sbr.rel @!p2 .LBB2_8-.Ltmp1, $4  }
0x19: {  	s14 =	simm.s32 @!p1 $0x3  }
0x1a: {  	s16 =	sadd.s32 $0x1, s12;
	_ =	swait.ge @!p1 [sflag:s14], $0x2800  }
0x1b: {  	p0 =	por !p0, !p0;
	s13 =	smov.u32 s11;
	[sflag:s14] =	ssyncset.done @!p1 $0x0  }
0x1c: {  	s12 =	smov.u32 s16;
	s11 =	smov.u32 s15;
	[sflag:s14] =	ssyncadd.s32 @!p1 $0xFFFFD800  }
.LBB2_1:
0x1d: {  	p1 =	sge.u32 s12, s8  }
0x1e: {  	s14 =	sxor.u32 @!p1 $0xFFFFFFFF, s12  }
0x1f: {  	s14 =	sand.u32 @!p1 $0x1, s14  }
0x20: {  	s14 =	smul.u32 @!p1 $0x140, s14  }
0x21: {  	s31 =	sadd.s32 $0xFFFFFFFF, s12;
	s15 =	sshrl.u32 @!p1 s11, $0x3  }
0x22: {  	s16 =	sand.u32 @!p1 $0x7, s11;
	s15 =	sadd.s32 @!p1 s5, s15;
	s14 =	sshrl.u32 @!p1 s14, $0x2  }
0x23: {  	[tilespmem:s14], [sflag:$0x2] =	stream.linear.gather @!p1 [hbm4b:s15+s16], $0x50, $0x38;
	[tilespmem:$0x50A0] =	vst v63  }
0x24: {  	p1 =	sge.u32 s31, s8  }
.Ltmp2:
0x25: {  	_ = 	snop;
	(pc) =	sbr.rel @p1 .LBB2_7-.Ltmp2, $1  }
0x26: {  	_ =	sdelay $0x3  }
0x27: {  	s14 =	simm.s32 $0x1  }
0x28: {  	s14 =	simm.s32 @!p0 $0x0  }
0x29: {  	s15 =	smul.u32 $0x140, s14  }
0x2a: {  	_ =	swait.ge [sflag:s7], $0x50  }
0x2b: {  	[sflag:s7] =	ssyncset.done $0x0;
	s16 =	sshrl.u32 s15, $0x2  }
0x2c: {  	[sflag:s7] =	ssyncadd.s32 $0xFFFFFFB0;
	s15 =	sadd.s32 $0x0, s16  }
0x2d: {  	v0 =	vld.msk [tilespmem:s15+$0x0 ss:$0x1], $0xffff;
	_ =	sdelay $0x4  }
0x2e: {  	vm2 =	vgt.s32 v0, $0x0  }
0x2f: {  	v0 =	vnsel vm2, $0x0, v0  }
0x30: {  	v0 =	vmin.u32 v0, $0x2EDF  }
0x31: {  	v0 =	vshll.u32 v0, $0x4  }
0x32: {  	s14 =	smul.u32 $0xA000, s14;
	_ =	sdelay $0x1  }
0x33: {  	s14 =	sshrl.u32 s14, $0x2  }
0x34: {  	s14 =	sor.u32 $0xA0, s14  }
0x35: {  	[tilespmem:s14], [sflag:$0x1] =	stream.indirect_vreg.gather [hbm:s4], $0x80, v0, vm0, $0x38;
	[tilespmem:$0x50A0] =	vst v63  }
0x36: {  	s17 =	sadd.s32 $0x10, s16;
	s15 =	sadd.s32 $0x400, s14  }
0x37: {  	[tilespmem:s15], [sflag:$0x1] =	stream.indirect_vreg.gather [hbm:s4], $0x80, v0, vm1, $0x38;
	[tilespmem:$0x50A0] =	vst v63  }
0x38: {  	s18 =	simm.s32 $0x80;
	v0 =	vld.msk [tilespmem:s17+$0x0 ss:$0x1], $0xffff;
	s17 =	smov.u32 s14  }
.LBB2_3:
0x39: {  	p1 =	sne.s32 s18, $0x100;
	_ =	sdelay $0x4  }
0x3a: {  	vm2 =	vgt.s32 v0, $0x0  }
0x3b: {  	v0 =	vnsel vm2, $0x0, v0  }
0x3c: {  	v0 =	vmin.u32 v0, $0x2EDF  }
0x3d: {  	v0 =	vshll.u32 v0, $0x4;
	_ =	sdelay $0x3  }
.Ltmp3:
0x3e: {  	s19 =	sshra.s32 s18, $0x2;
	s17 =	sadd.s32 $0x800, s17;
	(pc) =	sbr.rel @p1 .LBB2_3-.Ltmp3, $4  }
0x3f: {  	[tilespmem:s17], [sflag:$0x1] =	stream.indirect_vreg.gather [hbm:s4], $0x80, v0, vm0, $0x38;
	[tilespmem:$0x50A0] =	vst v63  }
0x40: {  	s19 =	sadd.s32 s19, s16;
	s20 =	sadd.s32 $0x400, s17  }
0x41: {  	[tilespmem:s20], [sflag:$0x1] =	stream.indirect_vreg.gather [hbm:s4], $0x80, v0, vm1, $0x38;
	[tilespmem:$0x50A0] =	vst v63  }
0x42: {  	s18 =	sadd.s32 $0x40, s18;
	v0 =	vld.msk [tilespmem:s19+$0x0 ss:$0x1], $0xffff  }
0x43: {  	_ =	sdelay $0x3  }
0x44: {  	vm2 =	vgt.s32 v0, $0x0  }
0x45: {  	v0 =	vnsel vm2, $0x0, v0  }
0x46: {  	v0 =	vmin.u32 v0, $0x2EDF  }
0x47: {  	v0 =	vshll.u32 v0, $0x4;
	_ =	sdelay $0x3  }
0x48: {  	s16 =	sadd.s32 $0x800, s17  }
0x49: {  	[tilespmem:s16], [sflag:$0x1] =	stream.indirect_vreg.gather [hbm:s4], $0x80, v0, vm0, $0x38;
	[tilespmem:$0x50A0] =	vst v63  }
0x4a: {  	s16 =	sadd.s32 $0x400, s16  }
0x4b: {  	[tilespmem:s16], [sflag:$0x1] =	stream.indirect_vreg.gather [hbm:s4], $0x80, v0, vm1, $0x38;
	[tilespmem:$0x50A0] =	vst v63  }
0x4c: {  	s13 =	sshll.u32 s13, $0x4;
	_ =	swait.ge [sflag:s6], $0x2800  }
0x4d: {  	s13 =	sadd.s32 s13, s9;
	[sflag:s6] =	ssyncset.done $0x0  }
0x4e: {  	s17 =	sadd.s32 $0x0, s13;
	s16 =	simm.s32 $0x80;
	[sflag:s6] =	ssyncadd.s32 $0xFFFFD800  }
.LBB2_5:
0x4f: {  	[hbm:s17] =	stream.linear.scatter [tilespmem:s14], [sflag:$0x3], $0x400, $0x38;
	[tilespmem:$0x50A0] =	vst v63  }
0x50: {  	s17 =	smov.u32 s16;
	s14 =	smov.u32 s15;
	p1 =	sne.s32 s16, $0x480  }
.Ltmp4:
0x51: {  	s16 =	sadd.s32 $0x80, s16;
	(pc) =	sbr.rel @p1 .LBB2_5-.Ltmp4, $2  }
0x52: {  	_ =	sdelay $0x2  }
0x53: {  	s15 =	sadd.s32 $0x400, s15;
	s17 =	sadd.s32 s17, s13  }
.Ltmp5:
0x54: {  	_ = 	snop;
	(pc) =	sbr.rel .LBB2_6-.Ltmp5, $1  }
0x55: {  	_ =	sdelay $0x3  }
.LBB2_8:
0x56: {  	_ =	sfence.sel $0x180000  }
0x57: {  	s2 =	simm.s32 $0x2;
	[bflag:$0x0] =	sbarrier.arrive $0xFFFF  }
0x58: {  	s30 =	simm.s32 $0x3;
	[sflag:s2] =	ssyncpa.u1 $0x1  }
0x59: {  	s31 =	simm.s32 $0x1;
	[sflag:s30] =	ssyncpa.u1 $0x1  }
0x5a: {  	[sflag:s31] =	ssyncpa.u1 $0x1  }
0x5b: {  	p0 =	sne.s32 s0, $0x0;
	_ =	strace $0x90000059  }
0x5c: {  	s0 =	sadd.s32 @!p0 $0x100000, s1;
	[bflag:$0x2] =	sbarrier.arrive $0xFFFF  }
0x5d: {  	[sflag:s0] =	ssyncadd.tile.s32 @!p0 $0x1;
	_ =	shalt  }
.Lfunc_end2:
_tile_overlayer_lowered:
.L_overlay_start_2:
0x5e: {  	(tag) =	ssettag $0x2  }
0x5f: {  	s0 =	rddreg [dreg:$0x0];
	s2 =	stileid.u32  }
0x60: {  	s1 =	rddreg [dreg:$0x1];
	p0 =	sne.s32 s2, $0x0  }
0x61: {  	s3 =	rddreg [dreg:$0x2];
	[bflag:$0x3] =	sbarrier.arrive $0xFFFF;
	s2 =	simm.s32 @!p0 $0x1C01  }
0x62: {  	[timem:s3], [sflag:s2] =	dma.local @!p0 [hbm:s0], s1  }
0x63: {  	s0 =	simm.s32 @!p0 $0x1  }
0x64: {  	_ =	swait.ge @!p0 [sflag:s0], s1  }
0x65: {  	s1 =	ssub.s32 @!p0 $0x0, s1;
	[sflag:s0] =	ssyncset.done @!p0 $0x0  }
0x66: {  	[sflag:s0] =	ssyncadd.s32 @!p0 s1  }
0x67: {  	[bflag:$0x3] =	sbarrier.arrive $0xFFFF  }
0x68: {  	_ =	shalt  }

// kernel: gather_offload_async_start.2
scs
__scs_entry_jumppad:
0x0: {  	(pc) =	sbr.rel $0x88, $3  }
0x1: {  	(tag) =	ssettag $0x0;
	lr =	simm.s32 $0x1  }
0x2: {  	[smem:$0x3F98] =	sst lr;
	_ =	strace $0xD0000000  }
0x3: {  	_ = 	snop  }
0x4: {  	_ = 	snop  }
0x5: {  	_ = 	snop  }
0x6: {  	_ = 	snop  }
0x7: {  	_ = 	snop  }
__scs_overlays_trampoline_lowered:
0x8: {  	[smem:$0x3FA7] =	sst s0  }
0x9: {  	[smem:$0x3FA8] =	sst s1  }
0xa: {  	[smem:$0x3FA9] =	sst s2  }
0xb: {  	[smem:$0x3FAA] =	sst s3  }
0xc: {  	[smem:$0x3FAB] =	sst s4  }
0xd: {  	[smem:$0x3FAC] =	sst s5  }
0xe: {  	[smem:$0x3FAD] =	sst s6  }
0xf: {  	[smem:$0x3FAE] =	sst s7  }
0x10: {  	[smem:$0x3FAF] =	sst s8  }
0x11: {  	[smem:$0x3FB0] =	sst s9;
	s0 =	simm.s32 @!p0 $0x0  }
0x12: {  	s1 =	sld [smem:$0x3F96];
	s0 =	simm.s32 @p0 $0x1  }
0x13: {  	[smem:$0x3FB1] =	sst s0;
	s0 =	simm.s32 @!p1 $0x0  }
0x14: {  	s2 =	sld [smem:$0x3F95];
	s0 =	simm.s32 @p1 $0x1  }
0x15: {  	[smem:$0x3FB2] =	sst s0;
	s0 =	simm.s32 @!p2 $0x0  }
0x16: {  	s3 =	sld [smem:$0x3FDB];
	s0 =	simm.s32 @p2 $0x1  }
0x17: {  	s4 =	simm.s32 $0x1BF5;
	[smem:$0x3FB4] =	sst s0  }
0x18: {  	s0 =	sld [smem:$0x3F97];
	_ =	swait.ge [sflag:s4], $0x0  }
0x19: {  	s7 =	sld [smem:$0x3F98]  }
0x1a: {  	s8 =	sadd.s32 $0xFFFFE003, lr  }
0x1b: {  	s9 =	sadd.s32 $0xFFFFFEF7, lr;
	s5 =	simm.s32 $0xFFFFFFFF;
	p2 =	slt.u32 s8, $0xFFFFF086  }
0x1c: {  	p1 =	slt.u32 s9, $0xF7A;
	s5 =	simm.s32 @!p2 $0x0  }
0x1d: {  	s5 =	simm.s32 @p1 $0x1;
	p0 =	seq.s32 s7, s2  }
0x1e: {  	s7 =	smul.u32 @!p0 $0xF7A, s2;
	p2 =	seq.s32 @!p0 s5, $0x0  }
0x1f: {  	s9 =	smul.u32 $0xF7A, s1;
	s8 =	simm.s32 @!p0 $0x1BF5;
	p2 =	por !p2, p0  }
0x20: {  	[sflag:s8] =	ssyncset.s32 @!p0 $0xFFFFF086;
	s6 =	sadd.s32 @!p0 s3, s7;
	s7 =	simm.s32 @!p0 $0x108  }
0x21: {  	s3 =	sadd.s32 s3, s9;
	s6 =	sadd.s32 @!p0 $0x88, s6;
	s7 =	simm.s32 @p2 $0x1082  }
0x22: {  	[simem:s7], [sflag:s8] =	dma.local @!p0 [hbm:s6], $0xF7A  }
0x23: {  	s9 =	sor.u32 $0xD0000000, s2;
	s6 =	simm.s32 $0x108;
	_ =	swait.ge @!p0 [sflag:s8], $0x0  }
0x24: {  	s3 =	sadd.s32 $0x88, s3;
	s6 =	simm.s32 @!p1 $0x1082;
	[sflag:s4] =	ssyncset.s32 $0xFFFFF086  }
0x25: {  	[simem:s6], [sflag:s4] =	dma.local [hbm:s3], $0xF7A  }
0x26: {  	[smem:$0x3F98] =	sst s1;
	(tag) =	ssettag s2;
	_ =	strace s9  }
0x27: {  	s1 =	sld [smem:$0x3FA8]  }
0x28: {  	s2 =	sld [smem:$0x3FA9]  }
0x29: {  	s4 =	sld [smem:$0x3FAB]  }
0x2a: {  	p0 =	seq.s32 s5, $0x0;
	s5 =	sld [smem:$0x3FAC]  }
0x2b: {  	s6 =	sld [smem:$0x3FAD]  }
0x2c: {  	s7 =	sld [smem:$0x3FAE]  }
0x2d: {  	s3 =	simm.s32 $0x108;
	s8 =	sld [smem:$0x3FAF]  }
0x2e: {  	s3 =	simm.s32 @!p0 $0x1082;
	s9 =	sld [smem:$0x3FB0]  }
0x2f: {  	lr =	sadd.s32 s0, s3;
	s0 =	sld [smem:$0x3FA7]  }
0x30: {  	s3 =	sld [smem:$0x3FAA]  }
0x31: {  	[smem:$0x3FB3] =	sst s10  }
0x32: {  	s10 =	sld [smem:$0x3FB1];
	_ =	sdelay $0x3  }
0x33: {  	p0 =	seq.s32 s10, $0x1;
	s10 =	sld [smem:$0x3FB3];
	_ =	sdelay $0x3  }
0x34: {  	[smem:$0x3FB3] =	sst s10  }
0x35: {  	s10 =	sld [smem:$0x3FB2];
	_ =	sdelay $0x3  }
0x36: {  	p1 =	seq.s32 s10, $0x1;
	s10 =	sld [smem:$0x3FB3];
	_ =	sdelay $0x3  }
0x37: {  	[smem:$0x3FB3] =	sst s10  }
0x38: {  	s10 =	sld [smem:$0x3FB4]  }
0x39: {  	_ = 	snop;
	(pc) =	sbr.ind lr, $3  }
0x3a: {  	_ = 	snop  }
0x3b: {  	_ = 	snop  }
0x3c: {  	p2 =	seq.s32 s10, $0x1;
	s10 =	sld [smem:$0x3FB3]  }
0x3d: {  	_ =	shalt  }
0x3e: {  	_ =	shalt  }
0x3f: {  	_ =	shalt  }
0x40: {  	_ =	shalt  }
0x41: {  	_ =	shalt  }
0x42: {  	_ =	shalt  }
0x43: {  	_ =	shalt  }
0x44: {  	_ =	shalt  }
0x45: {  	_ =	shalt  }
0x46: {  	_ =	shalt  }
0x47: {  	_ =	shalt  }
0x48: {  	_ =	shalt  }
0x49: {  	_ =	shalt  }
0x4a: {  	_ =	shalt  }
0x4b: {  	_ =	shalt  }
0x4c: {  	_ =	shalt  }
0x4d: {  	_ =	shalt  }
0x4e: {  	_ =	shalt  }
0x4f: {  	_ =	shalt  }
0x50: {  	_ =	shalt  }
0x51: {  	_ =	shalt  }
0x52: {  	_ =	shalt  }
0x53: {  	_ =	shalt  }
0x54: {  	_ =	shalt  }
0x55: {  	_ =	shalt  }
0x56: {  	_ =	shalt  }
0x57: {  	_ =	shalt  }
0x58: {  	_ =	shalt  }
0x59: {  	_ =	shalt  }
0x5a: {  	_ =	shalt  }
0x5b: {  	_ =	shalt  }
0x5c: {  	_ =	shalt  }
0x5d: {  	_ =	shalt  }
0x5e: {  	_ =	shalt  }
0x5f: {  	_ =	shalt  }
0x60: {  	_ =	shalt  }
0x61: {  	_ =	shalt  }
0x62: {  	_ =	shalt  }
0x63: {  	_ =	shalt  }
0x64: {  	_ =	shalt  }
0x65: {  	_ =	shalt  }
0x66: {  	_ =	shalt  }
0x67: {  	_ =	shalt  }
0x68: {  	_ =	shalt  }
0x69: {  	_ =	shalt  }
0x6a: {  	_ =	shalt  }
0x6b: {  	_ =	shalt  }
0x6c: {  	_ =	shalt  }
0x6d: {  	_ =	shalt  }
0x6e: {  	_ =	shalt  }
0x6f: {  	_ =	shalt  }
0x70: {  	_ =	shalt  }
0x71: {  	_ =	shalt  }
0x72: {  	_ =	shalt  }
0x73: {  	_ =	shalt  }
0x74: {  	_ =	shalt  }
0x75: {  	_ =	shalt  }
0x76: {  	_ =	shalt  }
0x77: {  	_ =	shalt  }
0x78: {  	_ =	shalt  }
0x79: {  	_ =	shalt  }
0x7a: {  	_ =	shalt  }
0x7b: {  	_ =	shalt  }
0x7c: {  	_ =	shalt  }
0x7d: {  	_ =	shalt  }
0x7e: {  	_ =	shalt  }
0x7f: {  	_ =	shalt  }
0x80: {  	_ =	shalt  }
0x81: {  	_ =	shalt  }
0x82: {  	_ =	shalt  }
0x83: {  	_ =	shalt  }
0x84: {  	_ =	shalt  }
0x85: {  	_ =	shalt  }
0x86: {  	_ =	shalt  }
0x87: {  	_ =	shalt  }
.Lfunc_end0:
.L_simem_size_0:
called_computation.4_lowered:
.L_overlay_start_0:
0x88: {  	s0 =	sld [smem:$0x3FD9]  }
0x89: {  	s1 =	sld [smem:$0x3FFE];
	_ =	sdelay $0x3  }
0x8a: {  	s0 =	sadd.s32 s1, s0  }
0x8b: {  	[smem:$0x3FBF] =	sst s0  }
0x8c: {  	_ = 	snop  }
0x8d: {  	s0 =	sld [smem:$0x3FD0];
	_ =	sdelay $0x2  }
0x8e: {  	s13 =	simm.s32 $0xD;
	s2 =	simm.s32 $0x10  }
0x8f: {  	[smem:s2], [sflag:s13] =	dma.local [hbm:s0], $0x1  }
0x90: {  	_ =	swait.eq [sflag:s13], $0x1  }
0x91: {  	[sflag:s13] =	ssyncset.done $0x0  }
0x92: {  	[sflag:s13] =	ssyncadd.s32 $0xFFFFFFFF  }
0x93: {  	s14 =	sld [smem:$0x12];
	(tm) =	ssettm $0x1  }
0x94: {  	s15 =	sld [smem:$0x3FFB];
	_ =	sdelay $0x3  }
0x95: {  	_ =	strace s15  }
0x96: {  	s1 =	sld [smem:$0x3FFC];
	_ =	sdelay $0x3  }
0x97: {  	_ =	strace s1  }
0x98: {  	s1 =	sld [smem:$0x3FFD];
	_ =	sdelay $0x3  }
0x99: {  	_ =	strace s1  }
0x9a: {  	_ =	strace $0x8FFFFFFF  }
0x9b: {  	s16 =	sld [smem:$0x3FDB];
	_ =	sdelay $0x1  }
0x9c: {  	s17 =	simm.s32 $_scs_section_size  }
0x9d: {  	s3 =	simm.s32 $_size__tile_overlayer_lowered;
	s4 =	simm.s32 $_tile_overlayer_lowered  }
0x9e: {  	s20 =	simm.s32 $0x1BFF;
	s19 =	sshll.u32 s4, $0x1;
	s1 =	sadd.s32 s17, s16  }
0x9f: {  	s5 =	simm.s32 $0x0;
	s18 =	sshll.u32 s3, $0x1;
	s3 =	sadd.s32 s19, s1  }
0xa0: {  	[timem:s5], [sflag:s20] =	dma.local [hbm:s3], s18  }
0xa1: {  	_ =	swait.ge [sflag:s20], s18  }
0xa2: {  	s2 =	ssub.s32 $0x0, s18;
	[sflag:s20] =	ssyncset.done $0x0  }
0xa3: {  	[sflag:s20] =	ssyncadd.s32 s2;
	_ =	sdelay $0x1  }
0xa4: {  	s21 =	simm.s32 $0x1B8B  }
0xa5: {  	_ =	swait.ge [sflag:s21], $0x1  }
0xa6: {  	[sflag:s21] =	ssyncset.done $0x0  }
0xa7: {  	s23 =	simm.s32 $0x1B8E;
	s22 =	sld [smem:$0x3FFE];
	[sflag:s21] =	ssyncadd.s32 $0xFFFFFFFF  }
0xa8: {  	s24 =	simm.s32 $execute0_lowered;
	[smem:$0x3FD2] =	sst s23  }
0xa9: {  	s3 =	sshll.u32 s24, $0x1;
	_ =	strace $0x8000004F;
	[dreg:$0x1] =	wrdreg $0xFFFFFFFF  }
0xaa: {  	s25 =	simm.s32 $_size_execute0_lowered;
	s1 =	sadd.s32 s1, s3;
	[dreg:$0x0] =	wrdreg $0x0  }
0xab: {  	s3 =	sshll.u32 s25, $0x1;
	[dreg:$0x2] =	wrdreg s1  }
0xac: {  	[dreg:$0x3] =	wrdreg s3  }
0xad: {  	[dreg:$0x4] =	wrdreg $0xC0  }
0xae: {  	_ =	task [dreg:s5], $0x5FFFF  }
0xaf: {  	[dreg:$0x1] =	wrdreg $0xFFFFFFFF  }
0xb0: {  	[dreg:$0x0] =	wrdreg $0x60  }
0xb1: {  	[dreg:$0x2] =	wrdreg s22  }
0xb2: {  	[dreg:$0x3] =	wrdreg s14  }
0xb3: {  	[dreg:$0x4] =	wrdreg $0x9  }
0xb4: {  	_ =	task.clear_ibuf [dreg:s5], $0x5FFFF;
	_ =	strace $0x9000004F  }
0xb5: {  	s26 =	simm.s32 $0x9;
	_ =	strace $0x80000051  }
0xb6: {  	_ =	swait.ge [sflag:s26], $0x1  }
0xb7: {  	[sflag:s26] =	ssyncadd.s32 $0xFFFFFFFF  }
0xb8: {  	_ =	strace $0x90000051  }
0xb9: {  	_ =	sfence  }
0xba: {  	s28 =	sld [smem:$0x0];
	_ =	sdelay $0x1  }
0xbb: {  	s29 =	srdreg.scid  }
0xbc: {  	s30 =	sshll.u32 s29, $0xD;
	s31 =	sshrl.u32 s29, $0x2  }
0xbd: {  	s2 =	sand.u32 $0x4000, s30;
	s1 =	sand.u32 $0x1, s29;
	s0 =	sadd.s32 s31, s28  }
0xbe: {  	s1 =	sor.u32 s2, s1;
	s0 =	sshll.u32 s0, $0x11  }
0xbf: {  	s0 =	sor.u32 s0, s1  }
0xc0: {  	s0 =	sadd.s32 $0x8F2B, s0  }
0xc1: {  	[sflag:s0] =	ssyncadd.remote.s32 $0x1  }
0xc2: {  	_ =	sfence.sel $0xFFFF  }
0xc3: {  	[dreg:$0x0] =	wrdreg $0xFFFFFFFF;
	(pc) =	sbr.abs _section_cstart, $3  }
0xc4: {  	[dreg:$0x1] =	wrdreg $0xFFFFFFFF  }
0xc5: {  	_ =	task.clear_ibuf [dreg:s5], $0x2FFFF;
	_ =	strace $0x9FFFFFFF  }
0xc6: {  	(tm) =	ssettm $0x7FFFFFFF  }
0xc7: {  	_ =	shalt  }
tec
execute0_lowered:
.L_overlay_start_1:
0x0: {  	(tag) =	ssettag $0x1  }
0x1: {  	s2 =	rddreg [dreg:$0x0]  }
0x2: {  	s3 =	rddreg [dreg:$0x1]  }
0x3: {  	s0 =	rddreg [dreg:$0x2];
	s1 =	stileid.u32;
	_ =	strace $0x80000050  }
0x4: {  	s5 =	simm.s32 $0x1;
	s6 =	simm.s32 $0x500;
	s8 =	simm.s32 $0x1  }
0x5: {  	s9 =	simm.s32 $0x3;
	s10 =	simm.s32 $0x0;
	s4 =	smul.u32 $0x50, s1  }
0x6: {  	s13 =	simm.s32 $0x0;
	s12 =	simm.s32 $0x0;
	p0 =	slt.u32 s1, $0xA  }
.Ltmp0:
0x7: {  	s6 =	simm.s32 @!p0 $0x0;
	s7 =	ssub.s32 $0x7D0, s4;
	(pc) =	sbr.rel .LBB2_1-.Ltmp0, $4  }
0x8: {  	s8 =	simm.s32 @!p0 $0x0;
	p0 =	sne.s32 s7, s6;
	s7 =	simm.s32 $0x1  }
0x9: {  	[sflag:s5] =	ssyncpa.u1 $0x0;
	s6 =	simm.s32 $0x2;
	s7 =	simm.s32 @!p0 $0x0  }
0xa: {  	s11 =	smov.u32 s4;
	[sflag:s6] =	ssyncpa.u1 $0x0;
	s7 =	sadd.s32 s8, s7  }
0xb: {  	vm0 =	vmmov $0xffff;
	s8 =	sadd.s32 $0x401E00, s2;
	[sflag:s9] =	ssyncpa.u1 $0x0;
	s9 =	sadd.s32 $0x1, s7  }
.LBB2_4:
0xc: {  	v2 =	vnsel vm1, $0x0, v2  }
0xd: {  	vm1 =	vgt.s32 v0, $0x0;
	v2 =	vmin.u32 v2, $0x2EDF  }
0xe: {  	v0 =	vnsel vm1, $0x0, v0  }
0xf: {  	v0 =	vmin.u32 v0, $0x2EDF  }
0x10: {  	[tilespmem:s18], [sflag:$0x1] =	stream.indirect_vreg.gather [hbm4b:s2+s10], $0x1, v1, vm0, $0x4038;
	[tilespmem:$0x140] =	vst v63  }
0x11: {  	(ifvalue) =	ssetifvalue $0x7FFFFFFF  }
0x12: {  	[tilespmem:s15], [sflag:$0x1] =	stream.indirect_vreg.gather [hbm4b:s2+s10], $0x1, v2, vm0, $0x4038;
	[tilespmem:$0x140] =	vst v63  }
0x13: {  	s29 =	sadd.s32 $0x10, s15;
	(ifvalue) =	ssetifvalue $0x7FFFFFFF  }
0x14: {  	[tilespmem:s29], [sflag:$0x1] =	stream.indirect_vreg.gather [hbm4b:s2+s10], $0x1, v0, vm0, $0x4038;
	[tilespmem:$0x140] =	vst v63  }
0x15: {  	_ =	swait.ge [sflag:s5], $0x50  }
0x16: {  	s30 =	sshrl.u32 s13, $0x3;
	[sflag:s5] =	ssyncset.done $0x0  }
0x17: {  	s31 =	sand.u32 $0x7, s13;
	s15 =	sadd.s32 s3, s30;
	[sflag:s5] =	ssyncadd.s32 $0xFFFFFFB0  }
0x18: {  	[hbm4b:s15+s31] =	stream.linear.scatter [tilespmem:s14], [sflag:$0x3], $0x50, $0x38;
	[tilespmem:$0x140] =	vst v63  }
.LBB2_5:
0x19: {  	s15 =	sadd.s32 $0x500, s11  }
0x1a: {  	p1 =	sgt.s32 s15, $0x7CF  }
0x1b: {  	s15 =	smov.u32 @p1 s4;
	p1 =	sne.s32 s12, s9  }
.Ltmp1:
0x1c: {  	p0 =	slt.u32 s12, $0x2;
	(pc) =	sbr.rel @!p1 .LBB2_6-.Ltmp1, $4  }
0x1d: {  	s14 =	simm.s32 @!p0 $0x3  }
0x1e: {  	_ =	swait.ge @!p0 [sflag:s14], $0x50  }
0x1f: {  	s16 =	sadd.s32 $0x1, s12;
	s13 =	smov.u32 s11;
	[sflag:s14] =	ssyncset.done @!p0 $0x0  }
0x20: {  	s12 =	smov.u32 s16;
	s11 =	smov.u32 s15;
	[sflag:s14] =	ssyncadd.s32 @!p0 $0xFFFFFFB0  }
.LBB2_1:
0x21: {  	p0 =	sge.u32 s12, s7  }
0x22: {  	s14 =	sxor.u32 @!p0 $0x1, s12  }
0x23: {  	s14 =	smul.u32 @!p0 $0x140, s14  }
0x24: {  	s31 =	sadd.s32 $0xFFFFFFFF, s12;
	s15 =	sshrl.u32 @!p0 s11, $0x3  }
0x25: {  	s16 =	sand.u32 @!p0 $0x7, s11;
	s15 =	sadd.s32 @!p0 s8, s15;
	s14 =	sshra.s32 @!p0 s14, $0x2  }
0x26: {  	[tilespmem:s14], [sflag:$0x2] =	stream.linear.gather @!p0 [hbm4b:s15+s16], $0x50, $0x38;
	[tilespmem:$0x140] =	vst v63  }
0x27: {  	p0 =	sge.u32 s31, s7  }
.Ltmp2:
0x28: {  	_ = 	snop;
	(pc) =	sbr.rel @p0 .LBB2_5-.Ltmp2, $1  }
0x29: {  	_ =	sdelay $0x3  }
0x2a: {  	s14 =	sand.u32 $0x1, s12  }
0x2b: {  	_ =	swait.ge [sflag:s6], $0x50;
	p0 =	seq.s32 s14, $0x1;
	s14 =	simm.s32 $0x50  }
0x2c: {  	[sflag:s6] =	ssyncset.done $0x0;
	s14 =	simm.s32 @!p0 $0x0  }
0x2d: {  	[sflag:s6] =	ssyncadd.s32 $0xFFFFFFB0;
	(ifvalue) =	ssetifvalue $0x7FFFFFFF;
	v0 =	vld.msk [tilespmem:s14+$0x0 ss:$0x1], $0xffff;
	_ =	sdelay $0x4  }
0x2e: {  	s15 =	sadd.s32 $0x10, s14;
	vm1 =	vgt.s32 v0, $0x0  }
0x2f: {  	v2 =	vld.msk [tilespmem:s15+$0x0 ss:$0x1], $0xffff;
	v1 =	vnsel vm1, $0x0, v0  }
0x30: {  	v1 =	vmin.u32 v1, $0x2EDF;
	_ =	sdelay $0x2  }
0x31: {  	s17 =	simm.s32 $0x20;
	s14 =	sor.u32 $0xA0, s14;
	s16 =	sadd.s32 $0x10, s15  }
0x32: {  	s15 =	sadd.s32 $0x10, s14;
	s18 =	smov.u32 s14;
	v0 =	vld.msk [tilespmem:s16+$0x0 ss:$0x1], $0xffff;
	vm1 =	vgt.s32 v2, $0x0;
	(ifvalue) =	ssetifvalue $0x7FFFFFFF  }
.LBB2_3:
0x33: {  	[tilespmem:s18], [sflag:$0x1] =	stream.indirect_vreg.gather [hbm4b:s2+s10], $0x1, v1, vm0, $0x4038;
	[tilespmem:$0x140] =	vst v63  }
0x34: {  	s17 =	sadd.s32 $0x10, s17  }
0x35: {  	v2 =	vnsel vm1, $0x0, v2;
	p0 =	slt.u32 s17, $0x40  }
.Ltmp3:
0x36: {  	s18 =	smov.u32 s15;
	v1 =	vmin.u32 v2, $0x2EDF;
	(pc) =	sbr.rel @p0 .LBB2_3-.Ltmp3, $3  }
0x37: {  	_ =	sdelay $0x1  }
0x38: {  	s16 =	sadd.s32 $0x10, s16  }
0x39: {  	vm1 =	vgt.s32 v0, $0x0;
	s15 =	sadd.s32 $0x10, s15;
	v2 =	vmov v0;
	(ifvalue) =	ssetifvalue $0x7FFFFFFF;
	v0 =	vld.msk [tilespmem:s16+$0x0 ss:$0x1], $0xffff  }
.Ltmp4:
0x3a: {  	_ = 	snop;
	(pc) =	sbr.rel .LBB2_4-.Ltmp4, $1  }
0x3b: {  	_ =	sdelay $0x3  }
.LBB2_6:
0x3c: {  	_ =	sfence.sel $0x180000  }
0x3d: {  	s2 =	simm.s32 $0x2;
	[bflag:$0x0] =	sbarrier.arrive $0xFFFF  }
0x3e: {  	s30 =	simm.s32 $0x3;
	[sflag:s2] =	ssyncpa.u1 $0x1  }
0x3f: {  	s31 =	simm.s32 $0x1;
	[sflag:s30] =	ssyncpa.u1 $0x1  }
0x40: {  	[sflag:s31] =	ssyncpa.u1 $0x1  }
0x41: {  	p0 =	sne.s32 s1, $0x0;
	_ =	strace $0x90000050  }
0x42: {  	s0 =	sadd.s32 @!p0 $0x100000, s0;
	[bflag:$0x2] =	sbarrier.arrive $0xFFFF  }
0x43: {  	[sflag:s0] =	ssyncadd.tile.s32 @!p0 $0x1;
	_ =	shalt  }
.Lfunc_end2:
_tile_overlayer_lowered:
.L_overlay_start_2:
0x44: {  	(tag) =	ssettag $0x2  }
0x45: {  	s0 =	rddreg [dreg:$0x0];
	s2 =	stileid.u32  }
0x46: {  	s1 =	rddreg [dreg:$0x1];
	p0 =	sne.s32 s2, $0x0  }
0x47: {  	s3 =	rddreg [dreg:$0x2];
	[bflag:$0x3] =	sbarrier.arrive $0xFFFF;
	s2 =	simm.s32 @!p0 $0x1C01  }
0x48: {  	[timem:s3], [sflag:s2] =	dma.local @!p0 [hbm:s0], s1  }
0x49: {  	s0 =	simm.s32 @!p0 $0x1  }
0x4a: {  	_ =	swait.ge @!p0 [sflag:s0], s1  }
0x4b: {  	s1 =	ssub.s32 @!p0 $0x0, s1;
	[sflag:s0] =	ssyncset.done @!p0 $0x0  }
0x4c: {  	[sflag:s0] =	ssyncadd.s32 @!p0 s1  }
0x4d: {  	[bflag:$0x3] =	sbarrier.arrive $0xFFFF  }
0x4e: {  	_ =	shalt  }

// kernel: gather_offload_async_start.3
scs
__scs_entry_jumppad:
0x0: {  	(pc) =	sbr.rel $0x88, $3  }
0x1: {  	(tag) =	ssettag $0x0;
	lr =	simm.s32 $0x1  }
0x2: {  	[smem:$0x3F98] =	sst lr;
	_ =	strace $0xD0000000  }
0x3: {  	_ = 	snop  }
0x4: {  	_ = 	snop  }
0x5: {  	_ = 	snop  }
0x6: {  	_ = 	snop  }
0x7: {  	_ = 	snop  }
__scs_overlays_trampoline_lowered:
0x8: {  	[smem:$0x3FA7] =	sst s0  }
0x9: {  	[smem:$0x3FA8] =	sst s1  }
0xa: {  	[smem:$0x3FA9] =	sst s2  }
0xb: {  	[smem:$0x3FAA] =	sst s3  }
0xc: {  	[smem:$0x3FAB] =	sst s4  }
0xd: {  	[smem:$0x3FAC] =	sst s5  }
0xe: {  	[smem:$0x3FAD] =	sst s6  }
0xf: {  	[smem:$0x3FAE] =	sst s7  }
0x10: {  	[smem:$0x3FAF] =	sst s8  }
0x11: {  	[smem:$0x3FB0] =	sst s9;
	s0 =	simm.s32 @!p0 $0x0  }
0x12: {  	s1 =	sld [smem:$0x3F96];
	s0 =	simm.s32 @p0 $0x1  }
0x13: {  	[smem:$0x3FB1] =	sst s0;
	s0 =	simm.s32 @!p1 $0x0  }
0x14: {  	s2 =	sld [smem:$0x3F95];
	s0 =	simm.s32 @p1 $0x1  }
0x15: {  	[smem:$0x3FB2] =	sst s0;
	s0 =	simm.s32 @!p2 $0x0  }
0x16: {  	s3 =	sld [smem:$0x3FDB];
	s0 =	simm.s32 @p2 $0x1  }
0x17: {  	s4 =	simm.s32 $0x1BF5;
	[smem:$0x3FB4] =	sst s0  }
0x18: {  	s0 =	sld [smem:$0x3F97];
	_ =	swait.ge [sflag:s4], $0x0  }
0x19: {  	s7 =	sld [smem:$0x3F98]  }
0x1a: {  	s8 =	sadd.s32 $0xFFFFE003, lr  }
0x1b: {  	s9 =	sadd.s32 $0xFFFFFEF7, lr;
	s5 =	simm.s32 $0xFFFFFFFF;
	p2 =	slt.u32 s8, $0xFFFFF086  }
0x1c: {  	p1 =	slt.u32 s9, $0xF7A;
	s5 =	simm.s32 @!p2 $0x0  }
0x1d: {  	s5 =	simm.s32 @p1 $0x1;
	p0 =	seq.s32 s7, s2  }
0x1e: {  	s7 =	smul.u32 @!p0 $0xF7A, s2;
	p2 =	seq.s32 @!p0 s5, $0x0  }
0x1f: {  	s9 =	smul.u32 $0xF7A, s1;
	s8 =	simm.s32 @!p0 $0x1BF5;
	p2 =	por !p2, p0  }
0x20: {  	[sflag:s8] =	ssyncset.s32 @!p0 $0xFFFFF086;
	s6 =	sadd.s32 @!p0 s3, s7;
	s7 =	simm.s32 @!p0 $0x108  }
0x21: {  	s3 =	sadd.s32 s3, s9;
	s6 =	sadd.s32 @!p0 $0x88, s6;
	s7 =	simm.s32 @p2 $0x1082  }
0x22: {  	[simem:s7], [sflag:s8] =	dma.local @!p0 [hbm:s6], $0xF7A  }
0x23: {  	s9 =	sor.u32 $0xD0000000, s2;
	s6 =	simm.s32 $0x108;
	_ =	swait.ge @!p0 [sflag:s8], $0x0  }
0x24: {  	s3 =	sadd.s32 $0x88, s3;
	s6 =	simm.s32 @!p1 $0x1082;
	[sflag:s4] =	ssyncset.s32 $0xFFFFF086  }
0x25: {  	[simem:s6], [sflag:s4] =	dma.local [hbm:s3], $0xF7A  }
0x26: {  	[smem:$0x3F98] =	sst s1;
	(tag) =	ssettag s2;
	_ =	strace s9  }
0x27: {  	s1 =	sld [smem:$0x3FA8]  }
0x28: {  	s2 =	sld [smem:$0x3FA9]  }
0x29: {  	s4 =	sld [smem:$0x3FAB]  }
0x2a: {  	p0 =	seq.s32 s5, $0x0;
	s5 =	sld [smem:$0x3FAC]  }
0x2b: {  	s6 =	sld [smem:$0x3FAD]  }
0x2c: {  	s7 =	sld [smem:$0x3FAE]  }
0x2d: {  	s3 =	simm.s32 $0x108;
	s8 =	sld [smem:$0x3FAF]  }
0x2e: {  	s3 =	simm.s32 @!p0 $0x1082;
	s9 =	sld [smem:$0x3FB0]  }
0x2f: {  	lr =	sadd.s32 s0, s3;
	s0 =	sld [smem:$0x3FA7]  }
0x30: {  	s3 =	sld [smem:$0x3FAA]  }
0x31: {  	[smem:$0x3FB3] =	sst s10  }
0x32: {  	s10 =	sld [smem:$0x3FB1];
	_ =	sdelay $0x3  }
0x33: {  	p0 =	seq.s32 s10, $0x1;
	s10 =	sld [smem:$0x3FB3];
	_ =	sdelay $0x3  }
0x34: {  	[smem:$0x3FB3] =	sst s10  }
0x35: {  	s10 =	sld [smem:$0x3FB2];
	_ =	sdelay $0x3  }
0x36: {  	p1 =	seq.s32 s10, $0x1;
	s10 =	sld [smem:$0x3FB3];
	_ =	sdelay $0x3  }
0x37: {  	[smem:$0x3FB3] =	sst s10  }
0x38: {  	s10 =	sld [smem:$0x3FB4]  }
0x39: {  	_ = 	snop;
	(pc) =	sbr.ind lr, $3  }
0x3a: {  	_ = 	snop  }
0x3b: {  	_ = 	snop  }
0x3c: {  	p2 =	seq.s32 s10, $0x1;
	s10 =	sld [smem:$0x3FB3]  }
0x3d: {  	_ =	shalt  }
0x3e: {  	_ =	shalt  }
0x3f: {  	_ =	shalt  }
0x40: {  	_ =	shalt  }
0x41: {  	_ =	shalt  }
0x42: {  	_ =	shalt  }
0x43: {  	_ =	shalt  }
0x44: {  	_ =	shalt  }
0x45: {  	_ =	shalt  }
0x46: {  	_ =	shalt  }
0x47: {  	_ =	shalt  }
0x48: {  	_ =	shalt  }
0x49: {  	_ =	shalt  }
0x4a: {  	_ =	shalt  }
0x4b: {  	_ =	shalt  }
0x4c: {  	_ =	shalt  }
0x4d: {  	_ =	shalt  }
0x4e: {  	_ =	shalt  }
0x4f: {  	_ =	shalt  }
0x50: {  	_ =	shalt  }
0x51: {  	_ =	shalt  }
0x52: {  	_ =	shalt  }
0x53: {  	_ =	shalt  }
0x54: {  	_ =	shalt  }
0x55: {  	_ =	shalt  }
0x56: {  	_ =	shalt  }
0x57: {  	_ =	shalt  }
0x58: {  	_ =	shalt  }
0x59: {  	_ =	shalt  }
0x5a: {  	_ =	shalt  }
0x5b: {  	_ =	shalt  }
0x5c: {  	_ =	shalt  }
0x5d: {  	_ =	shalt  }
0x5e: {  	_ =	shalt  }
0x5f: {  	_ =	shalt  }
0x60: {  	_ =	shalt  }
0x61: {  	_ =	shalt  }
0x62: {  	_ =	shalt  }
0x63: {  	_ =	shalt  }
0x64: {  	_ =	shalt  }
0x65: {  	_ =	shalt  }
0x66: {  	_ =	shalt  }
0x67: {  	_ =	shalt  }
0x68: {  	_ =	shalt  }
0x69: {  	_ =	shalt  }
0x6a: {  	_ =	shalt  }
0x6b: {  	_ =	shalt  }
0x6c: {  	_ =	shalt  }
0x6d: {  	_ =	shalt  }
0x6e: {  	_ =	shalt  }
0x6f: {  	_ =	shalt  }
0x70: {  	_ =	shalt  }
0x71: {  	_ =	shalt  }
0x72: {  	_ =	shalt  }
0x73: {  	_ =	shalt  }
0x74: {  	_ =	shalt  }
0x75: {  	_ =	shalt  }
0x76: {  	_ =	shalt  }
0x77: {  	_ =	shalt  }
0x78: {  	_ =	shalt  }
0x79: {  	_ =	shalt  }
0x7a: {  	_ =	shalt  }
0x7b: {  	_ =	shalt  }
0x7c: {  	_ =	shalt  }
0x7d: {  	_ =	shalt  }
0x7e: {  	_ =	shalt  }
0x7f: {  	_ =	shalt  }
0x80: {  	_ =	shalt  }
0x81: {  	_ =	shalt  }
0x82: {  	_ =	shalt  }
0x83: {  	_ =	shalt  }
0x84: {  	_ =	shalt  }
0x85: {  	_ =	shalt  }
0x86: {  	_ =	shalt  }
0x87: {  	_ =	shalt  }
.Lfunc_end0:
.L_simem_size_0:
called_computation.5_lowered:
.L_overlay_start_0:
0x88: {  	s0 =	sld [smem:$0x3FD9]  }
0x89: {  	s1 =	sld [smem:$0x3FFE];
	_ =	sdelay $0x3  }
0x8a: {  	s0 =	sadd.s32 s1, s0  }
0x8b: {  	[smem:$0x3FBF] =	sst s0  }
0x8c: {  	_ = 	snop  }
0x8d: {  	(tm) =	ssettm $0x1  }
0x8e: {  	s15 =	sld [smem:$0x3FFB];
	_ =	sdelay $0x3  }
0x8f: {  	_ =	strace s15  }
0x90: {  	s0 =	sld [smem:$0x3FFC];
	_ =	sdelay $0x3  }
0x91: {  	_ =	strace s0  }
0x92: {  	s0 =	sld [smem:$0x3FFD];
	_ =	sdelay $0x3  }
0x93: {  	_ =	strace s0  }
0x94: {  	_ =	strace $0x8FFFFFFF  }
0x95: {  	s16 =	sld [smem:$0x3FDB];
	_ =	sdelay $0x1  }
0x96: {  	s17 =	simm.s32 $_scs_section_size  }
0x97: {  	s2 =	simm.s32 $_size__tile_overlayer_lowered;
	s3 =	simm.s32 $_tile_overlayer_lowered  }
0x98: {  	s20 =	simm.s32 $0x1BFF;
	s19 =	sshll.u32 s3, $0x1;
	s0 =	sadd.s32 s17, s16  }
0x99: {  	s4 =	simm.s32 $0x0;
	s18 =	sshll.u32 s2, $0x1;
	s2 =	sadd.s32 s19, s0  }
0x9a: {  	[timem:s4], [sflag:s20] =	dma.local [hbm:s2], s18  }
0x9b: {  	_ =	swait.ge [sflag:s20], s18  }
0x9c: {  	s1 =	ssub.s32 $0x0, s18;
	[sflag:s20] =	ssyncset.done $0x0  }
0x9d: {  	[sflag:s20] =	ssyncadd.s32 s1;
	_ =	sdelay $0x1  }
0x9e: {  	s21 =	simm.s32 $0x1B8B  }
0x9f: {  	_ =	swait.ge [sflag:s21], $0x1  }
0xa0: {  	[sflag:s21] =	ssyncset.done $0x0  }
0xa1: {  	s23 =	simm.s32 $0x1B8E;
	s22 =	sld [smem:$0x3FFE];
	[sflag:s21] =	ssyncadd.s32 $0xFFFFFFFF  }
0xa2: {  	s24 =	simm.s32 $execute0_lowered;
	[smem:$0x3FD2] =	sst s23  }
0xa3: {  	s2 =	sshll.u32 s24, $0x1;
	_ =	strace $0x80000052;
	[dreg:$0x1] =	wrdreg $0xFFFFFFFF  }
0xa4: {  	s25 =	simm.s32 $_size_execute0_lowered;
	s0 =	sadd.s32 s0, s2;
	[dreg:$0x0] =	wrdreg $0x0  }
0xa5: {  	s2 =	sshll.u32 s25, $0x1;
	[dreg:$0x2] =	wrdreg s0  }
0xa6: {  	[dreg:$0x3] =	wrdreg s2  }
0xa7: {  	[dreg:$0x4] =	wrdreg $0xC0  }
0xa8: {  	_ =	task [dreg:s4], $0x5FFFF  }
0xa9: {  	[dreg:$0x1] =	wrdreg $0xFFFFFFFF  }
0xaa: {  	[dreg:$0x0] =	wrdreg $0x60  }
0xab: {  	[dreg:$0x2] =	wrdreg s22  }
0xac: {  	[dreg:$0x3] =	wrdreg $0xB  }
0xad: {  	_ =	task.clear_ibuf [dreg:s4], $0x4FFFF;
	_ =	strace $0x90000052  }
0xae: {  	s26 =	simm.s32 $0xB;
	_ =	strace $0x80000054  }
0xaf: {  	_ =	swait.ge [sflag:s26], $0x1  }
0xb0: {  	[sflag:s26] =	ssyncadd.s32 $0xFFFFFFFF  }
0xb1: {  	_ =	strace $0x90000054  }
0xb2: {  	_ =	sfence  }
0xb3: {  	s28 =	sld [smem:$0x0];
	_ =	sdelay $0x1  }
0xb4: {  	s29 =	srdreg.scid  }
0xb5: {  	s30 =	sshll.u32 s29, $0xD;
	s31 =	sshrl.u32 s29, $0x2  }
0xb6: {  	s1 =	sand.u32 $0x1, s29;
	s2 =	sand.u32 $0x4000, s30;
	s0 =	sadd.s32 s31, s28  }
0xb7: {  	s1 =	sor.u32 s2, s1;
	s0 =	sshll.u32 s0, $0x11  }
0xb8: {  	s0 =	sor.u32 s0, s1  }
0xb9: {  	s0 =	sadd.s32 $0x8F2B, s0  }
0xba: {  	[sflag:s0] =	ssyncadd.remote.s32 $0x1  }
0xbb: {  	_ =	sfence.sel $0xFFFF  }
0xbc: {  	[dreg:$0x0] =	wrdreg $0xFFFFFFFF;
	(pc) =	sbr.abs _section_cstart, $3  }
0xbd: {  	[dreg:$0x1] =	wrdreg $0xFFFFFFFF  }
0xbe: {  	_ =	task.clear_ibuf [dreg:s4], $0x2FFFF;
	_ =	strace $0x9FFFFFFF  }
0xbf: {  	(tm) =	ssettm $0x7FFFFFFF  }
tec
execute0_lowered:
.L_overlay_start_1:
0x0: {  	(tag) =	ssettag $0x1  }
0x1: {  	s0 =	stileid.u32  }
0x2: {  	s1 =	smin.u32 s0, $0x9  }
0x3: {  	s1 =	sadd.s32 s0, s1  }
0x4: {  	p0 =	slt.u32 s0, $0x9;
	s2 =	smul.u32 $0x50, s1;
	s1 =	simm.s32 $0xA0  }
0x5: {  	s1 =	simm.s32 @!p0 $0x50  }
0x6: {  	s1 =	sadd.s32 s1, s2  }
0x7: {  	s3 =	smin.u32 s1, $0x7D0  }
0x8: {  	s7 =	ssub.s32 s3, s2  }
0x9: {  	p0 =	sgt.s32 s7, $0x0  }
0xa: {  	s7 =	simm.s32 @!p0 $0x0  }
0xb: {  	s31 =	smul.u32 $0xCCCD, s7  }
0xc: {  	s4 =	rddreg [dreg:$0x0];
	s6 =	simm.s32 $0x1  }
0xd: {  	s10 =	simm.s32 $0x3;
	s13 =	simm.s32 $0x0;
	s8 =	sshrl.u32 s31, $0x16  }
0xe: {  	s12 =	simm.s32 $0x0;
	s5 =	sadd.s32 $0x1800, s4;
	s9 =	smul.u32 $0x50, s8  }
.Ltmp0:
0xf: {  	s11 =	smov.u32 s2;
	s1 =	rddreg [dreg:$0x1];
	(pc) =	sbr.rel .LBB2_1-.Ltmp0, $4  }
0x10: {  	_ =	strace $0x80000053;
	p0 =	sne.s32 s7, s9;
	s9 =	simm.s32 $0x1  }
0x11: {  	[sflag:s6] =	ssyncpa.u1 $0x0;
	s7 =	simm.s32 $0x2;
	s9 =	simm.s32 @!p0 $0x0  }
0x12: {  	[sflag:s7] =	ssyncpa.u1 $0x0;
	p0 =	por $0x0, $0x0;
	s8 =	sadd.s32 s8, s9  }
0x13: {  	vm0 =	vmmov $0xff;
	vm1 =	vcmask $0x3F20;
	s9 =	sadd.s32 $0x402000, s4;
	[sflag:s10] =	ssyncpa.u1 $0x0;
	s10 =	sadd.s32 $0x1, s8  }
.LBB2_6:
0x14: {  	[hbm:s17] =	stream.linear.scatter [tilespmem:s14], [sflag:$0x3], $0x400, $0x38;
	[tilespmem:$0x50A0] =	vst v63  }
.LBB2_7:
0x15: {  	s13 =	sadd.s32 $0x50, s11  }
0x16: {  	s15 =	smov.u32 s2;
	p2 =	slt.s32 s13, s3  }
0x17: {  	s15 =	smov.u32 @p2 s13;
	p2 =	sne.s32 s12, s10  }
.Ltmp1:
0x18: {  	p1 =	slt.u32 s12, $0x2;
	(pc) =	sbr.rel @!p2 .LBB2_8-.Ltmp1, $4  }
0x19: {  	s14 =	simm.s32 @!p1 $0x3  }
0x1a: {  	s16 =	sadd.s32 $0x1, s12;
	_ =	swait.ge @!p1 [sflag:s14], $0x2800  }
0x1b: {  	p0 =	por !p0, !p0;
	s13 =	smov.u32 s11;
	[sflag:s14] =	ssyncset.done @!p1 $0x0  }
0x1c: {  	s12 =	smov.u32 s16;
	s11 =	smov.u32 s15;
	[sflag:s14] =	ssyncadd.s32 @!p1 $0xFFFFD800  }
.LBB2_1:
0x1d: {  	p1 =	sge.u32 s12, s8  }
0x1e: {  	s14 =	sxor.u32 @!p1 $0xFFFFFFFF, s12  }
0x1f: {  	s14 =	sand.u32 @!p1 $0x1, s14  }
0x20: {  	s14 =	smul.u32 @!p1 $0x140, s14  }
0x21: {  	s31 =	sadd.s32 $0xFFFFFFFF, s12;
	s15 =	sshrl.u32 @!p1 s11, $0x3  }
0x22: {  	s16 =	sand.u32 @!p1 $0x7, s11;
	s15 =	sadd.s32 @!p1 s4, s15;
	s14 =	sshrl.u32 @!p1 s14, $0x2  }
0x23: {  	[tilespmem:s14], [sflag:$0x2] =	stream.linear.gather @!p1 [hbm4b:s15+s16], $0x50, $0x38;
	[tilespmem:$0x50A0] =	vst v63  }
0x24: {  	p1 =	sge.u32 s31, s8  }
.Ltmp2:
0x25: {  	_ = 	snop;
	(pc) =	sbr.rel @p1 .LBB2_7-.Ltmp2, $1  }
0x26: {  	_ =	sdelay $0x3  }
0x27: {  	s14 =	simm.s32 $0x1  }
0x28: {  	s14 =	simm.s32 @!p0 $0x0  }
0x29: {  	s15 =	smul.u32 $0x140, s14  }
0x2a: {  	_ =	swait.ge [sflag:s7], $0x50  }
0x2b: {  	[sflag:s7] =	ssyncset.done $0x0;
	s16 =	sshrl.u32 s15, $0x2  }
0x2c: {  	[sflag:s7] =	ssyncadd.s32 $0xFFFFFFB0;
	s15 =	sadd.s32 $0x0, s16  }
0x2d: {  	v0 =	vld.msk [tilespmem:s15+$0x0 ss:$0x1], $0xffff;
	_ =	sdelay $0x4  }
0x2e: {  	vm2 =	vgt.s32 v0, $0x0  }
0x2f: {  	v0 =	vnsel vm2, $0x0, v0  }
0x30: {  	v0 =	vmin.u32 v0, $0x3FFFF  }
0x31: {  	v0 =	vshll.u32 v0, $0x4  }
0x32: {  	s14 =	smul.u32 $0xA000, s14;
	_ =	sdelay $0x1  }
0x33: {  	s14 =	sshrl.u32 s14, $0x2  }
0x34: {  	s14 =	sor.u32 $0xA0, s14  }
0x35: {  	[tilespmem:s14], [sflag:$0x1] =	stream.indirect_vreg.gather [hbm:s5], $0x80, v0, vm0, $0x38;
	[tilespmem:$0x50A0] =	vst v63  }
0x36: {  	s17 =	sadd.s32 $0x10, s16;
	s15 =	sadd.s32 $0x400, s14  }
0x37: {  	[tilespmem:s15], [sflag:$0x1] =	stream.indirect_vreg.gather [hbm:s5], $0x80, v0, vm1, $0x38;
	[tilespmem:$0x50A0] =	vst v63  }
0x38: {  	s18 =	simm.s32 $0x80;
	v0 =	vld.msk [tilespmem:s17+$0x0 ss:$0x1], $0xffff;
	s17 =	smov.u32 s14  }
.LBB2_3:
0x39: {  	p1 =	sne.s32 s18, $0x100;
	_ =	sdelay $0x4  }
0x3a: {  	vm2 =	vgt.s32 v0, $0x0  }
0x3b: {  	v0 =	vnsel vm2, $0x0, v0  }
0x3c: {  	v0 =	vmin.u32 v0, $0x3FFFF  }
0x3d: {  	v0 =	vshll.u32 v0, $0x4;
	_ =	sdelay $0x3  }
.Ltmp3:
0x3e: {  	s19 =	sshra.s32 s18, $0x2;
	s17 =	sadd.s32 $0x800, s17;
	(pc) =	sbr.rel @p1 .LBB2_3-.Ltmp3, $4  }
0x3f: {  	[tilespmem:s17], [sflag:$0x1] =	stream.indirect_vreg.gather [hbm:s5], $0x80, v0, vm0, $0x38;
	[tilespmem:$0x50A0] =	vst v63  }
0x40: {  	s19 =	sadd.s32 s19, s16;
	s20 =	sadd.s32 $0x400, s17  }
0x41: {  	[tilespmem:s20], [sflag:$0x1] =	stream.indirect_vreg.gather [hbm:s5], $0x80, v0, vm1, $0x38;
	[tilespmem:$0x50A0] =	vst v63  }
0x42: {  	s18 =	sadd.s32 $0x40, s18;
	v0 =	vld.msk [tilespmem:s19+$0x0 ss:$0x1], $0xffff  }
0x43: {  	_ =	sdelay $0x3  }
0x44: {  	vm2 =	vgt.s32 v0, $0x0  }
0x45: {  	v0 =	vnsel vm2, $0x0, v0  }
0x46: {  	v0 =	vmin.u32 v0, $0x3FFFF  }
0x47: {  	v0 =	vshll.u32 v0, $0x4;
	_ =	sdelay $0x3  }
0x48: {  	s16 =	sadd.s32 $0x800, s17  }
0x49: {  	[tilespmem:s16], [sflag:$0x1] =	stream.indirect_vreg.gather [hbm:s5], $0x80, v0, vm0, $0x38;
	[tilespmem:$0x50A0] =	vst v63  }
0x4a: {  	s16 =	sadd.s32 $0x400, s16  }
0x4b: {  	[tilespmem:s16], [sflag:$0x1] =	stream.indirect_vreg.gather [hbm:s5], $0x80, v0, vm1, $0x38;
	[tilespmem:$0x50A0] =	vst v63  }
0x4c: {  	s13 =	sshll.u32 s13, $0x4;
	_ =	swait.ge [sflag:s6], $0x2800  }
0x4d: {  	s13 =	sadd.s32 s13, s9;
	[sflag:s6] =	ssyncset.done $0x0  }
0x4e: {  	s17 =	sadd.s32 $0x0, s13;
	s16 =	simm.s32 $0x80;
	[sflag:s6] =	ssyncadd.s32 $0xFFFFD800  }
.LBB2_5:
0x4f: {  	[hbm:s17] =	stream.linear.scatter [tilespmem:s14], [sflag:$0x3], $0x400, $0x38;
	[tilespmem:$0x50A0] =	vst v63  }
0x50: {  	s17 =	smov.u32 s16;
	s14 =	smov.u32 s15;
	p1 =	sne.s32 s16, $0x480  }
.Ltmp4:
0x51: {  	s16 =	sadd.s32 $0x80, s16;
	(pc) =	sbr.rel @p1 .LBB2_5-.Ltmp4, $2  }
0x52: {  	_ =	sdelay $0x2  }
0x53: {  	s15 =	sadd.s32 $0x400, s15;
	s17 =	sadd.s32 s17, s13  }
.Ltmp5:
0x54: {  	_ = 	snop;
	(pc) =	sbr.rel .LBB2_6-.Ltmp5, $1  }
0x55: {  	_ =	sdelay $0x3  }
.LBB2_8:
0x56: {  	_ =	sfence.sel $0x180000  }
0x57: {  	s2 =	simm.s32 $0x2;
	[bflag:$0x0] =	sbarrier.arrive $0xFFFF  }
0x58: {  	s30 =	simm.s32 $0x3;
	[sflag:s2] =	ssyncpa.u1 $0x1  }
0x59: {  	s31 =	simm.s32 $0x1;
	[sflag:s30] =	ssyncpa.u1 $0x1  }
0x5a: {  	[sflag:s31] =	ssyncpa.u1 $0x1  }
0x5b: {  	p0 =	sne.s32 s0, $0x0;
	_ =	strace $0x90000053  }
0x5c: {  	s0 =	sadd.s32 @!p0 $0x100000, s1;
	[bflag:$0x2] =	sbarrier.arrive $0xFFFF  }
0x5d: {  	[sflag:s0] =	ssyncadd.tile.s32 @!p0 $0x1;
	_ =	shalt  }
.Lfunc_end2:
_tile_overlayer_lowered:
.L_overlay_start_2:
0x5e: {  	(tag) =	ssettag $0x2  }
0x5f: {  	s0 =	rddreg [dreg:$0x0];
	s2 =	stileid.u32  }
0x60: {  	s1 =	rddreg [dreg:$0x1];
	p0 =	sne.s32 s2, $0x0  }
0x61: {  	s3 =	rddreg [dreg:$0x2];
	[bflag:$0x3] =	sbarrier.arrive $0xFFFF;
	s2 =	simm.s32 @!p0 $0x1C01  }
0x62: {  	[timem:s3], [sflag:s2] =	dma.local @!p0 [hbm:s0], s1  }
0x63: {  	s0 =	simm.s32 @!p0 $0x1  }
0x64: {  	_ =	swait.ge @!p0 [sflag:s0], s1  }
0x65: {  	s1 =	ssub.s32 @!p0 $0x0, s1;
	[sflag:s0] =	ssyncset.done @!p0 $0x0  }
0x66: {  	[sflag:s0] =	ssyncadd.s32 @!p0 s1  }
0x67: {  	[bflag:$0x3] =	sbarrier.arrive $0xFFFF  }
0x68: {  	_ =	shalt  }

// kernel: gather_offload_async_start.4
scs
__scs_entry_jumppad:
0x0: {  	(pc) =	sbr.rel $0x88, $3  }
0x1: {  	(tag) =	ssettag $0x0;
	lr =	simm.s32 $0x1  }
0x2: {  	[smem:$0x3F98] =	sst lr;
	_ =	strace $0xD0000000  }
0x3: {  	_ = 	snop  }
0x4: {  	_ = 	snop  }
0x5: {  	_ = 	snop  }
0x6: {  	_ = 	snop  }
0x7: {  	_ = 	snop  }
__scs_overlays_trampoline_lowered:
0x8: {  	[smem:$0x3FA7] =	sst s0  }
0x9: {  	[smem:$0x3FA8] =	sst s1  }
0xa: {  	[smem:$0x3FA9] =	sst s2  }
0xb: {  	[smem:$0x3FAA] =	sst s3  }
0xc: {  	[smem:$0x3FAB] =	sst s4  }
0xd: {  	[smem:$0x3FAC] =	sst s5  }
0xe: {  	[smem:$0x3FAD] =	sst s6  }
0xf: {  	[smem:$0x3FAE] =	sst s7  }
0x10: {  	[smem:$0x3FAF] =	sst s8  }
0x11: {  	[smem:$0x3FB0] =	sst s9;
	s0 =	simm.s32 @!p0 $0x0  }
0x12: {  	s1 =	sld [smem:$0x3F96];
	s0 =	simm.s32 @p0 $0x1  }
0x13: {  	[smem:$0x3FB1] =	sst s0;
	s0 =	simm.s32 @!p1 $0x0  }
0x14: {  	s2 =	sld [smem:$0x3F95];
	s0 =	simm.s32 @p1 $0x1  }
0x15: {  	[smem:$0x3FB2] =	sst s0;
	s0 =	simm.s32 @!p2 $0x0  }
0x16: {  	s3 =	sld [smem:$0x3FDB];
	s0 =	simm.s32 @p2 $0x1  }
0x17: {  	s4 =	simm.s32 $0x1BF5;
	[smem:$0x3FB4] =	sst s0  }
0x18: {  	s0 =	sld [smem:$0x3F97];
	_ =	swait.ge [sflag:s4], $0x0  }
0x19: {  	s7 =	sld [smem:$0x3F98]  }
0x1a: {  	s8 =	sadd.s32 $0xFFFFE003, lr  }
0x1b: {  	s9 =	sadd.s32 $0xFFFFFEF7, lr;
	s5 =	simm.s32 $0xFFFFFFFF;
	p2 =	slt.u32 s8, $0xFFFFF086  }
0x1c: {  	p1 =	slt.u32 s9, $0xF7A;
	s5 =	simm.s32 @!p2 $0x0  }
0x1d: {  	s5 =	simm.s32 @p1 $0x1;
	p0 =	seq.s32 s7, s2  }
0x1e: {  	s7 =	smul.u32 @!p0 $0xF7A, s2;
	p2 =	seq.s32 @!p0 s5, $0x0  }
0x1f: {  	s9 =	smul.u32 $0xF7A, s1;
	s8 =	simm.s32 @!p0 $0x1BF5;
	p2 =	por !p2, p0  }
0x20: {  	[sflag:s8] =	ssyncset.s32 @!p0 $0xFFFFF086;
	s6 =	sadd.s32 @!p0 s3, s7;
	s7 =	simm.s32 @!p0 $0x108  }
0x21: {  	s3 =	sadd.s32 s3, s9;
	s6 =	sadd.s32 @!p0 $0x88, s6;
	s7 =	simm.s32 @p2 $0x1082  }
0x22: {  	[simem:s7], [sflag:s8] =	dma.local @!p0 [hbm:s6], $0xF7A  }
0x23: {  	s9 =	sor.u32 $0xD0000000, s2;
	s6 =	simm.s32 $0x108;
	_ =	swait.ge @!p0 [sflag:s8], $0x0  }
0x24: {  	s3 =	sadd.s32 $0x88, s3;
	s6 =	simm.s32 @!p1 $0x1082;
	[sflag:s4] =	ssyncset.s32 $0xFFFFF086  }
0x25: {  	[simem:s6], [sflag:s4] =	dma.local [hbm:s3], $0xF7A  }
0x26: {  	[smem:$0x3F98] =	sst s1;
	(tag) =	ssettag s2;
	_ =	strace s9  }
0x27: {  	s1 =	sld [smem:$0x3FA8]  }
0x28: {  	s2 =	sld [smem:$0x3FA9]  }
0x29: {  	s4 =	sld [smem:$0x3FAB]  }
0x2a: {  	p0 =	seq.s32 s5, $0x0;
	s5 =	sld [smem:$0x3FAC]  }
0x2b: {  	s6 =	sld [smem:$0x3FAD]  }
0x2c: {  	s7 =	sld [smem:$0x3FAE]  }
0x2d: {  	s3 =	simm.s32 $0x108;
	s8 =	sld [smem:$0x3FAF]  }
0x2e: {  	s3 =	simm.s32 @!p0 $0x1082;
	s9 =	sld [smem:$0x3FB0]  }
0x2f: {  	lr =	sadd.s32 s0, s3;
	s0 =	sld [smem:$0x3FA7]  }
0x30: {  	s3 =	sld [smem:$0x3FAA]  }
0x31: {  	[smem:$0x3FB3] =	sst s10  }
0x32: {  	s10 =	sld [smem:$0x3FB1];
	_ =	sdelay $0x3  }
0x33: {  	p0 =	seq.s32 s10, $0x1;
	s10 =	sld [smem:$0x3FB3];
	_ =	sdelay $0x3  }
0x34: {  	[smem:$0x3FB3] =	sst s10  }
0x35: {  	s10 =	sld [smem:$0x3FB2];
	_ =	sdelay $0x3  }
0x36: {  	p1 =	seq.s32 s10, $0x1;
	s10 =	sld [smem:$0x3FB3];
	_ =	sdelay $0x3  }
0x37: {  	[smem:$0x3FB3] =	sst s10  }
0x38: {  	s10 =	sld [smem:$0x3FB4]  }
0x39: {  	_ = 	snop;
	(pc) =	sbr.ind lr, $3  }
0x3a: {  	_ = 	snop  }
0x3b: {  	_ = 	snop  }
0x3c: {  	p2 =	seq.s32 s10, $0x1;
	s10 =	sld [smem:$0x3FB3]  }
0x3d: {  	_ =	shalt  }
0x3e: {  	_ =	shalt  }
0x3f: {  	_ =	shalt  }
0x40: {  	_ =	shalt  }
0x41: {  	_ =	shalt  }
0x42: {  	_ =	shalt  }
0x43: {  	_ =	shalt  }
0x44: {  	_ =	shalt  }
0x45: {  	_ =	shalt  }
0x46: {  	_ =	shalt  }
0x47: {  	_ =	shalt  }
0x48: {  	_ =	shalt  }
0x49: {  	_ =	shalt  }
0x4a: {  	_ =	shalt  }
0x4b: {  	_ =	shalt  }
0x4c: {  	_ =	shalt  }
0x4d: {  	_ =	shalt  }
0x4e: {  	_ =	shalt  }
0x4f: {  	_ =	shalt  }
0x50: {  	_ =	shalt  }
0x51: {  	_ =	shalt  }
0x52: {  	_ =	shalt  }
0x53: {  	_ =	shalt  }
0x54: {  	_ =	shalt  }
0x55: {  	_ =	shalt  }
0x56: {  	_ =	shalt  }
0x57: {  	_ =	shalt  }
0x58: {  	_ =	shalt  }
0x59: {  	_ =	shalt  }
0x5a: {  	_ =	shalt  }
0x5b: {  	_ =	shalt  }
0x5c: {  	_ =	shalt  }
0x5d: {  	_ =	shalt  }
0x5e: {  	_ =	shalt  }
0x5f: {  	_ =	shalt  }
0x60: {  	_ =	shalt  }
0x61: {  	_ =	shalt  }
0x62: {  	_ =	shalt  }
0x63: {  	_ =	shalt  }
0x64: {  	_ =	shalt  }
0x65: {  	_ =	shalt  }
0x66: {  	_ =	shalt  }
0x67: {  	_ =	shalt  }
0x68: {  	_ =	shalt  }
0x69: {  	_ =	shalt  }
0x6a: {  	_ =	shalt  }
0x6b: {  	_ =	shalt  }
0x6c: {  	_ =	shalt  }
0x6d: {  	_ =	shalt  }
0x6e: {  	_ =	shalt  }
0x6f: {  	_ =	shalt  }
0x70: {  	_ =	shalt  }
0x71: {  	_ =	shalt  }
0x72: {  	_ =	shalt  }
0x73: {  	_ =	shalt  }
0x74: {  	_ =	shalt  }
0x75: {  	_ =	shalt  }
0x76: {  	_ =	shalt  }
0x77: {  	_ =	shalt  }
0x78: {  	_ =	shalt  }
0x79: {  	_ =	shalt  }
0x7a: {  	_ =	shalt  }
0x7b: {  	_ =	shalt  }
0x7c: {  	_ =	shalt  }
0x7d: {  	_ =	shalt  }
0x7e: {  	_ =	shalt  }
0x7f: {  	_ =	shalt  }
0x80: {  	_ =	shalt  }
0x81: {  	_ =	shalt  }
0x82: {  	_ =	shalt  }
0x83: {  	_ =	shalt  }
0x84: {  	_ =	shalt  }
0x85: {  	_ =	shalt  }
0x86: {  	_ =	shalt  }
0x87: {  	_ =	shalt  }
.Lfunc_end0:
.L_simem_size_0:
called_computation.6_lowered:
.L_overlay_start_0:
0x88: {  	s2 =	sld [smem:$0x3FD9]  }
0x89: {  	s3 =	sld [smem:$0x3FFE];
	_ =	sdelay $0x1  }
0x8a: {  	s1 =	srdreg.scid  }
0x8b: {  	s0 =	sand.u32 $0x1, s1  }
0x8c: {  	s16 =	sshll.u32 s0, $0xA;
	s2 =	sadd.s32 s3, s2  }
0x8d: {  	s2 =	sadd.s32 s2, s16  }
0x8e: {  	[smem:$0x3FBF] =	sst s2  }
0x8f: {  	_ = 	snop  }
0x90: {  	(tm) =	ssettm $0x1  }
0x91: {  	s17 =	sld [smem:$0x3FFB];
	_ =	sdelay $0x3  }
0x92: {  	_ =	strace s17  }
0x93: {  	s2 =	sld [smem:$0x3FFC];
	_ =	sdelay $0x3  }
0x94: {  	_ =	strace s2  }
0x95: {  	s2 =	sld [smem:$0x3FFD];
	_ =	sdelay $0x3  }
0x96: {  	_ =	strace s2  }
0x97: {  	_ =	strace $0x8FFFFFFF  }
0x98: {  	s18 =	sld [smem:$0x3FDB];
	_ =	sdelay $0x1  }
0x99: {  	s19 =	simm.s32 $_scs_section_size  }
0x9a: {  	s4 =	simm.s32 $_size__tile_overlayer_lowered;
	s5 =	simm.s32 $_tile_overlayer_lowered  }
0x9b: {  	s22 =	simm.s32 $0x1BFF;
	s21 =	sshll.u32 s5, $0x1;
	s2 =	sadd.s32 s19, s18  }
0x9c: {  	s6 =	simm.s32 $0x0;
	s20 =	sshll.u32 s4, $0x1;
	s4 =	sadd.s32 s21, s2  }
0x9d: {  	[timem:s6], [sflag:s22] =	dma.local [hbm:s4], s20  }
0x9e: {  	_ =	swait.ge [sflag:s22], s20  }
0x9f: {  	s3 =	ssub.s32 $0x0, s20;
	[sflag:s22] =	ssyncset.done $0x0  }
0xa0: {  	[sflag:s22] =	ssyncadd.s32 s3;
	_ =	sdelay $0x1  }
0xa1: {  	s23 =	simm.s32 $0x1B8B  }
0xa2: {  	_ =	swait.ge [sflag:s23], $0x1  }
0xa3: {  	[sflag:s23] =	ssyncset.done $0x0  }
0xa4: {  	s25 =	simm.s32 $0x1B8E;
	s24 =	sld [smem:$0x3FFE];
	[sflag:s23] =	ssyncadd.s32 $0xFFFFFFFF  }
0xa5: {  	s26 =	simm.s32 $execute0_lowered;
	[smem:$0x3FD2] =	sst s25  }
0xa6: {  	s4 =	sshll.u32 s26, $0x1;
	_ =	strace $0x80000049;
	[dreg:$0x1] =	wrdreg $0xFFFFFFFF  }
0xa7: {  	s28 =	simm.s32 $_size_execute0_lowered;
	s2 =	sadd.s32 s2, s4;
	[dreg:$0x0] =	wrdreg $0x0  }
0xa8: {  	s4 =	sshll.u32 s28, $0x1;
	[dreg:$0x2] =	wrdreg s2  }
0xa9: {  	[dreg:$0x3] =	wrdreg s4  }
0xaa: {  	[dreg:$0x4] =	wrdreg $0xC0  }
0xab: {  	_ =	task [dreg:s6], $0x5FFFF  }
0xac: {  	[dreg:$0x1] =	wrdreg $0xFFFFFFFF  }
0xad: {  	[dreg:$0x0] =	wrdreg $0x60  }
0xae: {  	[dreg:$0x2] =	wrdreg s24  }
0xaf: {  	[dreg:$0x3] =	wrdreg $0x9  }
0xb0: {  	_ =	task.clear_ibuf [dreg:s6], $0x4FFFF;
	_ =	strace $0x90000049  }
0xb1: {  	s29 =	simm.s32 $0x9;
	_ =	strace $0x8000004B  }
0xb2: {  	_ =	swait.ge [sflag:s29], $0x1  }
0xb3: {  	[sflag:s29] =	ssyncadd.s32 $0xFFFFFFFF  }
0xb4: {  	_ =	strace $0x9000004B  }
0xb5: {  	_ =	sfence  }
0xb6: {  	s30 =	sld [smem:$0x0];
	_ =	sdelay $0x2  }
0xb7: {  	s31 =	sshll.u32 s1, $0xD;
	s1 =	sshrl.u32 s1, $0x2  }
0xb8: {  	s3 =	sand.u32 $0x4000, s31;
	s1 =	sadd.s32 s1, s30  }
0xb9: {  	s0 =	sor.u32 s3, s0;
	s1 =	sshll.u32 s1, $0x11  }
0xba: {  	s0 =	sor.u32 s1, s0  }
0xbb: {  	s0 =	sadd.s32 $0x8F2B, s0  }
0xbc: {  	[sflag:s0] =	ssyncadd.remote.s32 $0x1  }
0xbd: {  	_ =	sfence.sel $0xFFFF  }
0xbe: {  	[dreg:$0x0] =	wrdreg $0xFFFFFFFF;
	(pc) =	sbr.abs _section_cstart, $3  }
0xbf: {  	[dreg:$0x1] =	wrdreg $0xFFFFFFFF  }
0xc0: {  	_ =	task.clear_ibuf [dreg:s6], $0x2FFFF;
	_ =	strace $0x9FFFFFFF  }
0xc1: {  	(tm) =	ssettm $0x7FFFFFFF  }
tec
execute0_lowered:
.L_overlay_start_1:
0x0: {  	(tag) =	ssettag $0x1  }
0x1: {  	s8 =	rddreg [dreg:$0x0]  }
0x2: {  	s0 =	rddreg [dreg:$0x1];
	_ =	strace $0x8000004A;
	s1 =	stileid.u32  }
0x3: {  	s3 =	srdreg.scid;
	s4 =	simm.s32 $0x1;
	s7 =	simm.s32 $0x1  }
0x4: {  	s9 =	simm.s32 $0x1;
	s10 =	simm.s32 $0x3;
	s13 =	simm.s32 $0x0  }
0x5: {  	s12 =	simm.s32 $0x0;
	s5 =	sand.u32 $0x1, s3;
	s6 =	sshll.u32 s1, $0x1  }
0x6: {  	s2 =	sadd.s32 $0x409E00, s8;
	s3 =	sadd.s32 $0x1200, s8;
	s5 =	sor.u32 s6, s5  }
.Ltmp0:
0x7: {  	[sflag:s4] =	ssyncpa.u1 $0x0;
	p0 =	slt.u32 s5, $0x13;
	(pc) =	sbr.rel .LBB2_1-.Ltmp0, $4  }
0x8: {  	s6 =	simm.s32 $0x2;
	s7 =	simm.s32 @!p0 $0x0;
	p0 =	sne.s32 s5, $0x12  }
0x9: {  	[sflag:s6] =	ssyncpa.u1 $0x0;
	s5 =	smul.u32 $0xF0, s5;
	s9 =	simm.s32 @!p0 $0x0  }
0xa: {  	s8 =	sadd.s32 $0x401800, s8;
	[sflag:s10] =	ssyncpa.u1 $0x0;
	s7 =	sadd.s32 s9, s7  }
0xb: {  	vm0 =	vmmov $0xffff;
	s10 =	simm.s32 $0x0;
	s11 =	smov.u32 s5;
	s9 =	sadd.s32 $0x1, s7  }
.LBB2_4:
0xc: {  	v2 =	vnsel vm1, $0x0, v2  }
0xd: {  	vm1 =	vgt.s32 v0, $0x0;
	v2 =	vmin.u32 v2, $0x3FFFF  }
0xe: {  	v0 =	vnsel vm1, $0x0, v0  }
0xf: {  	v0 =	vmin.u32 v0, $0x3FFFF  }
0x10: {  	[tilespmem:s18], [sflag:$0x1] =	stream.indirect_vreg.gather [hbm4b:s2+s10], $0x1, v1, vm0, $0x4038;
	[tilespmem:$0x3C0] =	vst v63  }
0x11: {  	(ifvalue) =	ssetifvalue $0x7FFFFFFF  }
0x12: {  	[tilespmem:s15], [sflag:$0x1] =	stream.indirect_vreg.gather [hbm4b:s2+s10], $0x1, v2, vm0, $0x4038;
	[tilespmem:$0x3C0] =	vst v63  }
0x13: {  	s29 =	sadd.s32 $0x10, s15;
	(ifvalue) =	ssetifvalue $0x7FFFFFFF  }
0x14: {  	[tilespmem:s29], [sflag:$0x1] =	stream.indirect_vreg.gather [hbm4b:s2+s10], $0x1, v0, vm0, $0x4038;
	[tilespmem:$0x3C0] =	vst v63  }
0x15: {  	_ =	swait.ge [sflag:s4], $0xF0  }
0x16: {  	s30 =	sshrl.u32 s13, $0x3;
	[sflag:s4] =	ssyncset.done $0x0  }
0x17: {  	s31 =	sand.u32 $0x7, s13;
	s15 =	sadd.s32 s8, s30;
	[sflag:s4] =	ssyncadd.s32 $0xFFFFFF10  }
0x18: {  	[hbm4b:s15+s31] =	stream.linear.scatter [tilespmem:s14], [sflag:$0x3], $0xF0, $0x38;
	[tilespmem:$0x3C0] =	vst v63  }
.LBB2_5:
0x19: {  	s15 =	sadd.s32 $0x1E00, s11  }
0x1a: {  	p1 =	sgt.s32 s15, $0x2EDF  }
0x1b: {  	s15 =	smov.u32 @p1 s5;
	p1 =	sne.s32 s12, s9  }
.Ltmp1:
0x1c: {  	p0 =	slt.u32 s12, $0x2;
	(pc) =	sbr.rel @!p1 .LBB2_6-.Ltmp1, $4  }
0x1d: {  	s14 =	simm.s32 @!p0 $0x3  }
0x1e: {  	_ =	swait.ge @!p0 [sflag:s14], $0xF0  }
0x1f: {  	s16 =	sadd.s32 $0x1, s12;
	s13 =	smov.u32 s11;
	[sflag:s14] =	ssyncset.done @!p0 $0x0  }
0x20: {  	s12 =	smov.u32 s16;
	s11 =	smov.u32 s15;
	[sflag:s14] =	ssyncadd.s32 @!p0 $0xFFFFFF10  }
.LBB2_1:
0x21: {  	p0 =	sge.u32 s12, s7  }
0x22: {  	s14 =	sxor.u32 @!p0 $0x1, s12  }
0x23: {  	s14 =	smul.u32 @!p0 $0x3C0, s14  }
0x24: {  	s31 =	sadd.s32 $0xFFFFFFFF, s12;
	s15 =	sshrl.u32 @!p0 s11, $0x3  }
0x25: {  	s16 =	sand.u32 @!p0 $0x7, s11;
	s15 =	sadd.s32 @!p0 s3, s15;
	s14 =	sshra.s32 @!p0 s14, $0x2  }
0x26: {  	[tilespmem:s14], [sflag:$0x2] =	stream.linear.gather @!p0 [hbm4b:s15+s16], $0xF0, $0x38;
	[tilespmem:$0x3C0] =	vst v63  }
0x27: {  	p0 =	sge.u32 s31, s7  }
.Ltmp2:
0x28: {  	_ = 	snop;
	(pc) =	sbr.rel @p0 .LBB2_5-.Ltmp2, $1  }
0x29: {  	_ =	sdelay $0x3  }
0x2a: {  	s14 =	sand.u32 $0x1, s12  }
0x2b: {  	_ =	swait.ge [sflag:s6], $0xF0;
	p0 =	seq.s32 s14, $0x1;
	s14 =	simm.s32 $0xF0  }
0x2c: {  	[sflag:s6] =	ssyncset.done $0x0;
	s14 =	simm.s32 @!p0 $0x0  }
0x2d: {  	[sflag:s6] =	ssyncadd.s32 $0xFFFFFF10;
	(ifvalue) =	ssetifvalue $0x7FFFFFFF;
	v0 =	vld.msk [tilespmem:s14+$0x0 ss:$0x1], $0xffff;
	_ =	sdelay $0x4  }
0x2e: {  	s15 =	sadd.s32 $0x10, s14;
	vm1 =	vgt.s32 v0, $0x0  }
0x2f: {  	v2 =	vld.msk [tilespmem:s15+$0x0 ss:$0x1], $0xffff;
	v1 =	vnsel vm1, $0x0, v0  }
0x30: {  	v1 =	vmin.u32 v1, $0x3FFFF;
	_ =	sdelay $0x2  }
0x31: {  	s17 =	simm.s32 $0x20;
	s14 =	sadd.s32 $0x1E0, s14;
	s16 =	sadd.s32 $0x10, s15  }
0x32: {  	s15 =	sadd.s32 $0x10, s14;
	s18 =	smov.u32 s14;
	v0 =	vld.msk [tilespmem:s16+$0x0 ss:$0x1], $0xffff;
	vm1 =	vgt.s32 v2, $0x0;
	(ifvalue) =	ssetifvalue $0x7FFFFFFF  }
.LBB2_3:
0x33: {  	[tilespmem:s18], [sflag:$0x1] =	stream.indirect_vreg.gather [hbm4b:s2+s10], $0x1, v1, vm0, $0x4038;
	[tilespmem:$0x3C0] =	vst v63  }
0x34: {  	s17 =	sadd.s32 $0x10, s17  }
0x35: {  	v2 =	vnsel vm1, $0x0, v2;
	p0 =	slt.u32 s17, $0xE0  }
.Ltmp3:
0x36: {  	s18 =	smov.u32 s15;
	v1 =	vmin.u32 v2, $0x3FFFF;
	(pc) =	sbr.rel @p0 .LBB2_3-.Ltmp3, $3  }
0x37: {  	_ =	sdelay $0x1  }
0x38: {  	s16 =	sadd.s32 $0x10, s16  }
0x39: {  	vm1 =	vgt.s32 v0, $0x0;
	s15 =	sadd.s32 $0x10, s15;
	v2 =	vmov v0;
	(ifvalue) =	ssetifvalue $0x7FFFFFFF;
	v0 =	vld.msk [tilespmem:s16+$0x0 ss:$0x1], $0xffff  }
.Ltmp4:
0x3a: {  	_ = 	snop;
	(pc) =	sbr.rel .LBB2_4-.Ltmp4, $1  }
0x3b: {  	_ =	sdelay $0x3  }
.LBB2_6:
0x3c: {  	_ =	sfence.sel $0x180000  }
0x3d: {  	s2 =	simm.s32 $0x2;
	[bflag:$0x0] =	sbarrier.arrive $0xFFFF  }
0x3e: {  	s30 =	simm.s32 $0x3;
	[sflag:s2] =	ssyncpa.u1 $0x1  }
0x3f: {  	s31 =	simm.s32 $0x1;
	[sflag:s30] =	ssyncpa.u1 $0x1  }
0x40: {  	[sflag:s31] =	ssyncpa.u1 $0x1  }
0x41: {  	p0 =	sne.s32 s1, $0x0;
	_ =	strace $0x9000004A  }
0x42: {  	s0 =	sadd.s32 @!p0 $0x100000, s0;
	[bflag:$0x2] =	sbarrier.arrive $0xFFFF  }
0x43: {  	[sflag:s0] =	ssyncadd.tile.s32 @!p0 $0x1;
	_ =	shalt  }
.Lfunc_end2:
_tile_overlayer_lowered:
.L_overlay_start_2:
0x44: {  	(tag) =	ssettag $0x2  }
0x45: {  	s0 =	rddreg [dreg:$0x0];
	s2 =	stileid.u32  }
0x46: {  	s1 =	rddreg [dreg:$0x1];
	p0 =	sne.s32 s2, $0x0  }
0x47: {  	s3 =	rddreg [dreg:$0x2];
	[bflag:$0x3] =	sbarrier.arrive $0xFFFF;
	s2 =	simm.s32 @!p0 $0x1C01  }
0x48: {  	[timem:s3], [sflag:s2] =	dma.local @!p0 [hbm:s0], s1  }
0x49: {  	s0 =	simm.s32 @!p0 $0x1  }
0x4a: {  	_ =	swait.ge @!p0 [sflag:s0], s1  }
0x4b: {  	s1 =	ssub.s32 @!p0 $0x0, s1;
	[sflag:s0] =	ssyncset.done @!p0 $0x0  }
0x4c: {  	[sflag:s0] =	ssyncadd.s32 @!p0 s1  }
0x4d: {  	[bflag:$0x3] =	sbarrier.arrive $0xFFFF  }
0x4e: {  	_ =	shalt  }

// kernel: gather_offload_async_start.5
scs
__scs_entry_jumppad:
0x0: {  	(pc) =	sbr.rel $0x88, $3  }
0x1: {  	(tag) =	ssettag $0x0;
	lr =	simm.s32 $0x1  }
0x2: {  	[smem:$0x3F98] =	sst lr;
	_ =	strace $0xD0000000  }
0x3: {  	_ = 	snop  }
0x4: {  	_ = 	snop  }
0x5: {  	_ = 	snop  }
0x6: {  	_ = 	snop  }
0x7: {  	_ = 	snop  }
__scs_overlays_trampoline_lowered:
0x8: {  	[smem:$0x3FA7] =	sst s0  }
0x9: {  	[smem:$0x3FA8] =	sst s1  }
0xa: {  	[smem:$0x3FA9] =	sst s2  }
0xb: {  	[smem:$0x3FAA] =	sst s3  }
0xc: {  	[smem:$0x3FAB] =	sst s4  }
0xd: {  	[smem:$0x3FAC] =	sst s5  }
0xe: {  	[smem:$0x3FAD] =	sst s6  }
0xf: {  	[smem:$0x3FAE] =	sst s7  }
0x10: {  	[smem:$0x3FAF] =	sst s8  }
0x11: {  	[smem:$0x3FB0] =	sst s9;
	s0 =	simm.s32 @!p0 $0x0  }
0x12: {  	s1 =	sld [smem:$0x3F96];
	s0 =	simm.s32 @p0 $0x1  }
0x13: {  	[smem:$0x3FB1] =	sst s0;
	s0 =	simm.s32 @!p1 $0x0  }
0x14: {  	s2 =	sld [smem:$0x3F95];
	s0 =	simm.s32 @p1 $0x1  }
0x15: {  	[smem:$0x3FB2] =	sst s0;
	s0 =	simm.s32 @!p2 $0x0  }
0x16: {  	s3 =	sld [smem:$0x3FDB];
	s0 =	simm.s32 @p2 $0x1  }
0x17: {  	s4 =	simm.s32 $0x1BF5;
	[smem:$0x3FB4] =	sst s0  }
0x18: {  	s0 =	sld [smem:$0x3F97];
	_ =	swait.ge [sflag:s4], $0x0  }
0x19: {  	s7 =	sld [smem:$0x3F98]  }
0x1a: {  	s8 =	sadd.s32 $0xFFFFE003, lr  }
0x1b: {  	s9 =	sadd.s32 $0xFFFFFEF7, lr;
	s5 =	simm.s32 $0xFFFFFFFF;
	p2 =	slt.u32 s8, $0xFFFFF086  }
0x1c: {  	p1 =	slt.u32 s9, $0xF7A;
	s5 =	simm.s32 @!p2 $0x0  }
0x1d: {  	s5 =	simm.s32 @p1 $0x1;
	p0 =	seq.s32 s7, s2  }
0x1e: {  	s7 =	smul.u32 @!p0 $0xF7A, s2;
	p2 =	seq.s32 @!p0 s5, $0x0  }
0x1f: {  	s9 =	smul.u32 $0xF7A, s1;
	s8 =	simm.s32 @!p0 $0x1BF5;
	p2 =	por !p2, p0  }
0x20: {  	[sflag:s8] =	ssyncset.s32 @!p0 $0xFFFFF086;
	s6 =	sadd.s32 @!p0 s3, s7;
	s7 =	simm.s32 @!p0 $0x108  }
0x21: {  	s3 =	sadd.s32 s3, s9;
	s6 =	sadd.s32 @!p0 $0x88, s6;
	s7 =	simm.s32 @p2 $0x1082  }
0x22: {  	[simem:s7], [sflag:s8] =	dma.local @!p0 [hbm:s6], $0xF7A  }
0x23: {  	s9 =	sor.u32 $0xD0000000, s2;
	s6 =	simm.s32 $0x108;
	_ =	swait.ge @!p0 [sflag:s8], $0x0  }
0x24: {  	s3 =	sadd.s32 $0x88, s3;
	s6 =	simm.s32 @!p1 $0x1082;
	[sflag:s4] =	ssyncset.s32 $0xFFFFF086  }
0x25: {  	[simem:s6], [sflag:s4] =	dma.local [hbm:s3], $0xF7A  }
0x26: {  	[smem:$0x3F98] =	sst s1;
	(tag) =	ssettag s2;
	_ =	strace s9  }
0x27: {  	s1 =	sld [smem:$0x3FA8]  }
0x28: {  	s2 =	sld [smem:$0x3FA9]  }
0x29: {  	s4 =	sld [smem:$0x3FAB]  }
0x2a: {  	p0 =	seq.s32 s5, $0x0;
	s5 =	sld [smem:$0x3FAC]  }
0x2b: {  	s6 =	sld [smem:$0x3FAD]  }
0x2c: {  	s7 =	sld [smem:$0x3FAE]  }
0x2d: {  	s3 =	simm.s32 $0x108;
	s8 =	sld [smem:$0x3FAF]  }
0x2e: {  	s3 =	simm.s32 @!p0 $0x1082;
	s9 =	sld [smem:$0x3FB0]  }
0x2f: {  	lr =	sadd.s32 s0, s3;
	s0 =	sld [smem:$0x3FA7]  }
0x30: {  	s3 =	sld [smem:$0x3FAA]  }
0x31: {  	[smem:$0x3FB3] =	sst s10  }
0x32: {  	s10 =	sld [smem:$0x3FB1];
	_ =	sdelay $0x3  }
0x33: {  	p0 =	seq.s32 s10, $0x1;
	s10 =	sld [smem:$0x3FB3];
	_ =	sdelay $0x3  }
0x34: {  	[smem:$0x3FB3] =	sst s10  }
0x35: {  	s10 =	sld [smem:$0x3FB2];
	_ =	sdelay $0x3  }
0x36: {  	p1 =	seq.s32 s10, $0x1;
	s10 =	sld [smem:$0x3FB3];
	_ =	sdelay $0x3  }
0x37: {  	[smem:$0x3FB3] =	sst s10  }
0x38: {  	s10 =	sld [smem:$0x3FB4]  }
0x39: {  	_ = 	snop;
	(pc) =	sbr.ind lr, $3  }
0x3a: {  	_ = 	snop  }
0x3b: {  	_ = 	snop  }
0x3c: {  	p2 =	seq.s32 s10, $0x1;
	s10 =	sld [smem:$0x3FB3]  }
0x3d: {  	_ =	shalt  }
0x3e: {  	_ =	shalt  }
0x3f: {  	_ =	shalt  }
0x40: {  	_ =	shalt  }
0x41: {  	_ =	shalt  }
0x42: {  	_ =	shalt  }
0x43: {  	_ =	shalt  }
0x44: {  	_ =	shalt  }
0x45: {  	_ =	shalt  }
0x46: {  	_ =	shalt  }
0x47: {  	_ =	shalt  }
0x48: {  	_ =	shalt  }
0x49: {  	_ =	shalt  }
0x4a: {  	_ =	shalt  }
0x4b: {  	_ =	shalt  }
0x4c: {  	_ =	shalt  }
0x4d: {  	_ =	shalt  }
0x4e: {  	_ =	shalt  }
0x4f: {  	_ =	shalt  }
0x50: {  	_ =	shalt  }
0x51: {  	_ =	shalt  }
0x52: {  	_ =	shalt  }
0x53: {  	_ =	shalt  }
0x54: {  	_ =	shalt  }
0x55: {  	_ =	shalt  }
0x56: {  	_ =	shalt  }
0x57: {  	_ =	shalt  }
0x58: {  	_ =	shalt  }
0x59: {  	_ =	shalt  }
0x5a: {  	_ =	shalt  }
0x5b: {  	_ =	shalt  }
0x5c: {  	_ =	shalt  }
0x5d: {  	_ =	shalt  }
0x5e: {  	_ =	shalt  }
0x5f: {  	_ =	shalt  }
0x60: {  	_ =	shalt  }
0x61: {  	_ =	shalt  }
0x62: {  	_ =	shalt  }
0x63: {  	_ =	shalt  }
0x64: {  	_ =	shalt  }
0x65: {  	_ =	shalt  }
0x66: {  	_ =	shalt  }
0x67: {  	_ =	shalt  }
0x68: {  	_ =	shalt  }
0x69: {  	_ =	shalt  }
0x6a: {  	_ =	shalt  }
0x6b: {  	_ =	shalt  }
0x6c: {  	_ =	shalt  }
0x6d: {  	_ =	shalt  }
0x6e: {  	_ =	shalt  }
0x6f: {  	_ =	shalt  }
0x70: {  	_ =	shalt  }
0x71: {  	_ =	shalt  }
0x72: {  	_ =	shalt  }
0x73: {  	_ =	shalt  }
0x74: {  	_ =	shalt  }
0x75: {  	_ =	shalt  }
0x76: {  	_ =	shalt  }
0x77: {  	_ =	shalt  }
0x78: {  	_ =	shalt  }
0x79: {  	_ =	shalt  }
0x7a: {  	_ =	shalt  }
0x7b: {  	_ =	shalt  }
0x7c: {  	_ =	shalt  }
0x7d: {  	_ =	shalt  }
0x7e: {  	_ =	shalt  }
0x7f: {  	_ =	shalt  }
0x80: {  	_ =	shalt  }
0x81: {  	_ =	shalt  }
0x82: {  	_ =	shalt  }
0x83: {  	_ =	shalt  }
0x84: {  	_ =	shalt  }
0x85: {  	_ =	shalt  }
0x86: {  	_ =	shalt  }
0x87: {  	_ =	shalt  }
.Lfunc_end0:
.L_simem_size_0:
called_computation.7_lowered:
.L_overlay_start_0:
0x88: {  	s0 =	sld [smem:$0x3FD9]  }
0x89: {  	s1 =	sld [smem:$0x3FFE];
	_ =	sdelay $0x3  }
0x8a: {  	s0 =	sadd.s32 s1, s0  }
0x8b: {  	[smem:$0x3FBF] =	sst s0  }
0x8c: {  	_ = 	snop  }
0x8d: {  	s0 =	sld [smem:$0x3FD0];
	_ =	sdelay $0x2  }
0x8e: {  	s13 =	simm.s32 $0xD;
	s2 =	simm.s32 $0x10  }
0x8f: {  	[smem:s2], [sflag:s13] =	dma.local [hbm:s0], $0x1  }
0x90: {  	_ =	swait.eq [sflag:s13], $0x1  }
0x91: {  	[sflag:s13] =	ssyncset.done $0x0  }
0x92: {  	[sflag:s13] =	ssyncadd.s32 $0xFFFFFFFF  }
0x93: {  	s14 =	sld [smem:$0x11];
	(tm) =	ssettm $0x1  }
0x94: {  	s15 =	sld [smem:$0x3FFB];
	_ =	sdelay $0x3  }
0x95: {  	_ =	strace s15  }
0x96: {  	s1 =	sld [smem:$0x3FFC];
	_ =	sdelay $0x3  }
0x97: {  	_ =	strace s1  }
0x98: {  	s1 =	sld [smem:$0x3FFD];
	_ =	sdelay $0x3  }
0x99: {  	_ =	strace s1  }
0x9a: {  	_ =	strace $0x8FFFFFFF  }
0x9b: {  	s16 =	sld [smem:$0x3FDB];
	_ =	sdelay $0x1  }
0x9c: {  	s17 =	simm.s32 $_scs_section_size  }
0x9d: {  	s3 =	simm.s32 $_size__tile_overlayer_lowered;
	s4 =	simm.s32 $_tile_overlayer_lowered  }
0x9e: {  	s20 =	simm.s32 $0x1BFF;
	s19 =	sshll.u32 s4, $0x1;
	s1 =	sadd.s32 s17, s16  }
0x9f: {  	s5 =	simm.s32 $0x0;
	s18 =	sshll.u32 s3, $0x1;
	s3 =	sadd.s32 s19, s1  }
0xa0: {  	[timem:s5], [sflag:s20] =	dma.local [hbm:s3], s18  }
0xa1: {  	_ =	swait.ge [sflag:s20], s18  }
0xa2: {  	s2 =	ssub.s32 $0x0, s18;
	[sflag:s20] =	ssyncset.done $0x0  }
0xa3: {  	[sflag:s20] =	ssyncadd.s32 s2;
	_ =	sdelay $0x1  }
0xa4: {  	s21 =	simm.s32 $0x1B8B  }
0xa5: {  	_ =	swait.ge [sflag:s21], $0x1  }
0xa6: {  	[sflag:s21] =	ssyncset.done $0x0  }
0xa7: {  	s23 =	simm.s32 $0x1B8E;
	s22 =	sld [smem:$0x3FFE];
	[sflag:s21] =	ssyncadd.s32 $0xFFFFFFFF  }
0xa8: {  	s24 =	simm.s32 $execute0_lowered;
	[smem:$0x3FD2] =	sst s23  }
0xa9: {  	s3 =	sshll.u32 s24, $0x1;
	_ =	strace $0x8000005B;
	[dreg:$0x1] =	wrdreg $0xFFFFFFFF  }
0xaa: {  	s25 =	simm.s32 $_size_execute0_lowered;
	s1 =	sadd.s32 s1, s3;
	[dreg:$0x0] =	wrdreg $0x0  }
0xab: {  	s3 =	sshll.u32 s25, $0x1;
	[dreg:$0x2] =	wrdreg s1  }
0xac: {  	[dreg:$0x3] =	wrdreg s3  }
0xad: {  	[dreg:$0x4] =	wrdreg $0xC0  }
0xae: {  	_ =	task [dreg:s5], $0x5FFFF  }
0xaf: {  	[dreg:$0x1] =	wrdreg $0xFFFFFFFF  }
0xb0: {  	[dreg:$0x0] =	wrdreg $0x60  }
0xb1: {  	[dreg:$0x2] =	wrdreg s22  }
0xb2: {  	[dreg:$0x3] =	wrdreg s14  }
0xb3: {  	[dreg:$0x4] =	wrdreg $0xA  }
0xb4: {  	_ =	task.clear_ibuf [dreg:s5], $0x5FFFF;
	_ =	strace $0x9000005B  }
0xb5: {  	s26 =	simm.s32 $0xA;
	_ =	strace $0x8000005D  }
0xb6: {  	_ =	swait.ge [sflag:s26], $0x1  }
0xb7: {  	[sflag:s26] =	ssyncadd.s32 $0xFFFFFFFF  }
0xb8: {  	_ =	strace $0x9000005D  }
0xb9: {  	_ =	sfence  }
0xba: {  	s28 =	sld [smem:$0x0];
	_ =	sdelay $0x1  }
0xbb: {  	s29 =	srdreg.scid  }
0xbc: {  	s30 =	sshll.u32 s29, $0xD;
	s31 =	sshrl.u32 s29, $0x2  }
0xbd: {  	s2 =	sand.u32 $0x4000, s30;
	s1 =	sand.u32 $0x1, s29;
	s0 =	sadd.s32 s31, s28  }
0xbe: {  	s1 =	sor.u32 s2, s1;
	s0 =	sshll.u32 s0, $0x11  }
0xbf: {  	s0 =	sor.u32 s0, s1  }
0xc0: {  	s0 =	sadd.s32 $0x8F2B, s0  }
0xc1: {  	[sflag:s0] =	ssyncadd.remote.s32 $0x1  }
0xc2: {  	_ =	sfence.sel $0xFFFF  }
0xc3: {  	[dreg:$0x0] =	wrdreg $0xFFFFFFFF;
	(pc) =	sbr.abs _section_cstart, $3  }
0xc4: {  	[dreg:$0x1] =	wrdreg $0xFFFFFFFF  }
0xc5: {  	_ =	task.clear_ibuf [dreg:s5], $0x2FFFF;
	_ =	strace $0x9FFFFFFF  }
0xc6: {  	(tm) =	ssettm $0x7FFFFFFF  }
0xc7: {  	_ =	shalt  }
tec
execute0_lowered:
.L_overlay_start_1:
0x0: {  	(tag) =	ssettag $0x1  }
0x1: {  	s0 =	stileid.u32  }
0x2: {  	s1 =	smin.u32 s0, $0x9  }
0x3: {  	s1 =	sadd.s32 s0, s1  }
0x4: {  	s2 =	simm.s32 $0xA0;
	p0 =	slt.u32 s0, $0x9;
	s1 =	smul.u32 $0x50, s1  }
0x5: {  	s2 =	simm.s32 @!p0 $0x50  }
0x6: {  	s2 =	sadd.s32 s2, s1  }
0x7: {  	s3 =	smin.u32 s2, $0x7D0  }
0x8: {  	s7 =	ssub.s32 s3, s1  }
0x9: {  	p0 =	sgt.s32 s7, $0x0  }
0xa: {  	s7 =	simm.s32 @!p0 $0x0  }
0xb: {  	s9 =	rddreg [dreg:$0x0];
	s31 =	smul.u32 $0xCCCD, s7  }
0xc: {  	s4 =	rddreg [dreg:$0x1];
	s6 =	simm.s32 $0x1  }
0xd: {  	s11 =	simm.s32 $0x3;
	s13 =	simm.s32 $0x0;
	s8 =	sshrl.u32 s31, $0x16  }
0xe: {  	s12 =	simm.s32 $0x0;
	s5 =	sadd.s32 $0x448800, s9;
	s10 =	smul.u32 $0x50, s8  }
.Ltmp0:
0xf: {  	s9 =	sadd.s32 $0x477600, s9;
	s2 =	rddreg [dreg:$0x2];
	(pc) =	sbr.rel .LBB2_1-.Ltmp0, $4  }
0x10: {  	_ =	strace $0x8000005C;
	p0 =	sne.s32 s7, s10;
	s10 =	simm.s32 $0x1  }
0x11: {  	[sflag:s6] =	ssyncpa.u1 $0x0;
	s7 =	simm.s32 $0x2;
	s10 =	simm.s32 @!p0 $0x0  }
0x12: {  	[sflag:s7] =	ssyncpa.u1 $0x0;
	p0 =	por $0x0, $0x0;
	s8 =	sadd.s32 s8, s10  }
0x13: {  	vm0 =	vmmov $0xff;
	vm1 =	vcmask $0x3F20;
	[sflag:s11] =	ssyncpa.u1 $0x0;
	s11 =	smov.u32 s1;
	s10 =	sadd.s32 $0x1, s8  }
.LBB2_6:
0x14: {  	[hbm:s17] =	stream.linear.scatter [tilespmem:s14], [sflag:$0x3], $0x400, $0x38;
	[tilespmem:$0x50A0] =	vst v63  }
.LBB2_7:
0x15: {  	s13 =	sadd.s32 $0x50, s11  }
0x16: {  	s15 =	smov.u32 s1;
	p2 =	slt.s32 s13, s3  }
0x17: {  	s15 =	smov.u32 @p2 s13;
	p2 =	sne.s32 s12, s10  }
.Ltmp1:
0x18: {  	p1 =	slt.u32 s12, $0x2;
	(pc) =	sbr.rel @!p2 .LBB2_8-.Ltmp1, $4  }
0x19: {  	s14 =	simm.s32 @!p1 $0x3  }
0x1a: {  	s16 =	sadd.s32 $0x1, s12;
	_ =	swait.ge @!p1 [sflag:s14], $0x2800  }
0x1b: {  	p0 =	por !p0, !p0;
	s13 =	smov.u32 s11;
	[sflag:s14] =	ssyncset.done @!p1 $0x0  }
0x1c: {  	s12 =	smov.u32 s16;
	s11 =	smov.u32 s15;
	[sflag:s14] =	ssyncadd.s32 @!p1 $0xFFFFD800  }
.LBB2_1:
0x1d: {  	p1 =	sge.u32 s12, s8  }
0x1e: {  	s14 =	sxor.u32 @!p1 $0xFFFFFFFF, s12  }
0x1f: {  	s14 =	sand.u32 @!p1 $0x1, s14  }
0x20: {  	s14 =	smul.u32 @!p1 $0x140, s14  }
0x21: {  	s31 =	sadd.s32 $0xFFFFFFFF, s12;
	s15 =	sshrl.u32 @!p1 s11, $0x3  }
0x22: {  	s16 =	sand.u32 @!p1 $0x7, s11;
	s15 =	sadd.s32 @!p1 s4, s15;
	s14 =	sshrl.u32 @!p1 s14, $0x2  }
0x23: {  	[tilespmem:s14], [sflag:$0x2] =	stream.linear.gather @!p1 [hbm4b:s15+s16], $0x50, $0x38;
	[tilespmem:$0x50A0] =	vst v63  }
0x24: {  	p1 =	sge.u32 s31, s8  }
.Ltmp2:
0x25: {  	_ = 	snop;
	(pc) =	sbr.rel @p1 .LBB2_7-.Ltmp2, $1  }
0x26: {  	_ =	sdelay $0x3  }
0x27: {  	s14 =	simm.s32 $0x1  }
0x28: {  	s14 =	simm.s32 @!p0 $0x0  }
0x29: {  	s15 =	smul.u32 $0x140, s14  }
0x2a: {  	_ =	swait.ge [sflag:s7], $0x50  }
0x2b: {  	[sflag:s7] =	ssyncset.done $0x0;
	s16 =	sshrl.u32 s15, $0x2  }
0x2c: {  	[sflag:s7] =	ssyncadd.s32 $0xFFFFFFB0;
	s15 =	sadd.s32 $0x0, s16  }
0x2d: {  	v0 =	vld.msk [tilespmem:s15+$0x0 ss:$0x1], $0xffff;
	_ =	sdelay $0x4  }
0x2e: {  	vm2 =	vgt.s32 v0, $0x0  }
0x2f: {  	v0 =	vnsel vm2, $0x0, v0  }
0x30: {  	v0 =	vmin.u32 v0, $0x2EDF  }
0x31: {  	v0 =	vshll.u32 v0, $0x4  }
0x32: {  	s14 =	smul.u32 $0xA000, s14;
	_ =	sdelay $0x1  }
0x33: {  	s14 =	sshrl.u32 s14, $0x2  }
0x34: {  	s14 =	sor.u32 $0xA0, s14  }
0x35: {  	[tilespmem:s14], [sflag:$0x1] =	stream.indirect_vreg.gather [hbm:s5], $0x80, v0, vm0, $0x38;
	[tilespmem:$0x50A0] =	vst v63  }
0x36: {  	s17 =	sadd.s32 $0x10, s16;
	s15 =	sadd.s32 $0x400, s14  }
0x37: {  	[tilespmem:s15], [sflag:$0x1] =	stream.indirect_vreg.gather [hbm:s5], $0x80, v0, vm1, $0x38;
	[tilespmem:$0x50A0] =	vst v63  }
0x38: {  	s18 =	simm.s32 $0x80;
	v0 =	vld.msk [tilespmem:s17+$0x0 ss:$0x1], $0xffff;
	s17 =	smov.u32 s14  }
.LBB2_3:
0x39: {  	p1 =	sne.s32 s18, $0x100;
	_ =	sdelay $0x4  }
0x3a: {  	vm2 =	vgt.s32 v0, $0x0  }
0x3b: {  	v0 =	vnsel vm2, $0x0, v0  }
0x3c: {  	v0 =	vmin.u32 v0, $0x2EDF  }
0x3d: {  	v0 =	vshll.u32 v0, $0x4;
	_ =	sdelay $0x3  }
.Ltmp3:
0x3e: {  	s19 =	sshra.s32 s18, $0x2;
	s17 =	sadd.s32 $0x800, s17;
	(pc) =	sbr.rel @p1 .LBB2_3-.Ltmp3, $4  }
0x3f: {  	[tilespmem:s17], [sflag:$0x1] =	stream.indirect_vreg.gather [hbm:s5], $0x80, v0, vm0, $0x38;
	[tilespmem:$0x50A0] =	vst v63  }
0x40: {  	s19 =	sadd.s32 s19, s16;
	s20 =	sadd.s32 $0x400, s17  }
0x41: {  	[tilespmem:s20], [sflag:$0x1] =	stream.indirect_vreg.gather [hbm:s5], $0x80, v0, vm1, $0x38;
	[tilespmem:$0x50A0] =	vst v63  }
0x42: {  	s18 =	sadd.s32 $0x40, s18;
	v0 =	vld.msk [tilespmem:s19+$0x0 ss:$0x1], $0xffff  }
0x43: {  	_ =	sdelay $0x3  }
0x44: {  	vm2 =	vgt.s32 v0, $0x0  }
0x45: {  	v0 =	vnsel vm2, $0x0, v0  }
0x46: {  	v0 =	vmin.u32 v0, $0x2EDF  }
0x47: {  	v0 =	vshll.u32 v0, $0x4;
	_ =	sdelay $0x3  }
0x48: {  	s16 =	sadd.s32 $0x800, s17  }
0x49: {  	[tilespmem:s16], [sflag:$0x1] =	stream.indirect_vreg.gather [hbm:s5], $0x80, v0, vm0, $0x38;
	[tilespmem:$0x50A0] =	vst v63  }
0x4a: {  	s16 =	sadd.s32 $0x400, s16  }
0x4b: {  	[tilespmem:s16], [sflag:$0x1] =	stream.indirect_vreg.gather [hbm:s5], $0x80, v0, vm1, $0x38;
	[tilespmem:$0x50A0] =	vst v63  }
0x4c: {  	s13 =	sshll.u32 s13, $0x4;
	_ =	swait.ge [sflag:s6], $0x2800  }
0x4d: {  	s13 =	sadd.s32 s13, s9;
	[sflag:s6] =	ssyncset.done $0x0  }
0x4e: {  	s17 =	sadd.s32 $0x0, s13;
	s16 =	simm.s32 $0x80;
	[sflag:s6] =	ssyncadd.s32 $0xFFFFD800  }
.LBB2_5:
0x4f: {  	[hbm:s17] =	stream.linear.scatter [tilespmem:s14], [sflag:$0x3], $0x400, $0x38;
	[tilespmem:$0x50A0] =	vst v63  }
0x50: {  	s17 =	smov.u32 s16;
	s14 =	smov.u32 s15;
	p1 =	sne.s32 s16, $0x480  }
.Ltmp4:
0x51: {  	s16 =	sadd.s32 $0x80, s16;
	(pc) =	sbr.rel @p1 .LBB2_5-.Ltmp4, $2  }
0x52: {  	_ =	sdelay $0x2  }
0x53: {  	s15 =	sadd.s32 $0x400, s15;
	s17 =	sadd.s32 s17, s13  }
.Ltmp5:
0x54: {  	_ = 	snop;
	(pc) =	sbr.rel .LBB2_6-.Ltmp5, $1  }
0x55: {  	_ =	sdelay $0x3  }
.LBB2_8:
0x56: {  	_ =	sfence.sel $0x180000  }
0x57: {  	s1 =	simm.s32 $0x2;
	[bflag:$0x0] =	sbarrier.arrive $0xFFFF  }
0x58: {  	s30 =	simm.s32 $0x3;
	[sflag:s1] =	ssyncpa.u1 $0x1  }
0x59: {  	s31 =	simm.s32 $0x1;
	[sflag:s30] =	ssyncpa.u1 $0x1  }
0x5a: {  	[sflag:s31] =	ssyncpa.u1 $0x1  }
0x5b: {  	p0 =	sne.s32 s0, $0x0;
	_ =	strace $0x9000005C  }
0x5c: {  	s0 =	sadd.s32 @!p0 $0x100000, s2;
	[bflag:$0x2] =	sbarrier.arrive $0xFFFF  }
0x5d: {  	[sflag:s0] =	ssyncadd.tile.s32 @!p0 $0x1;
	_ =	shalt  }
.Lfunc_end2:
_tile_overlayer_lowered:
.L_overlay_start_2:
0x5e: {  	(tag) =	ssettag $0x2  }
0x5f: {  	s0 =	rddreg [dreg:$0x0];
	s2 =	stileid.u32  }
0x60: {  	s1 =	rddreg [dreg:$0x1];
	p0 =	sne.s32 s2, $0x0  }
0x61: {  	s3 =	rddreg [dreg:$0x2];
	[bflag:$0x3] =	sbarrier.arrive $0xFFFF;
	s2 =	simm.s32 @!p0 $0x1C01  }
0x62: {  	[timem:s3], [sflag:s2] =	dma.local @!p0 [hbm:s0], s1  }
0x63: {  	s0 =	simm.s32 @!p0 $0x1  }
0x64: {  	_ =	swait.ge @!p0 [sflag:s0], s1  }
0x65: {  	s1 =	ssub.s32 @!p0 $0x0, s1;
	[sflag:s0] =	ssyncset.done @!p0 $0x0  }
0x66: {  	[sflag:s0] =	ssyncadd.s32 @!p0 s1  }
0x67: {  	[bflag:$0x3] =	sbarrier.arrive $0xFFFF  }
0x68: {  	_ =	shalt  }

// kernel: gather_offload_async_start.6
scs
__scs_entry_jumppad:
0x0: {  	(pc) =	sbr.rel $0x88, $3  }
0x1: {  	(tag) =	ssettag $0x0;
	lr =	simm.s32 $0x1  }
0x2: {  	[smem:$0x3F98] =	sst lr;
	_ =	strace $0xD0000000  }
0x3: {  	_ = 	snop  }
0x4: {  	_ = 	snop  }
0x5: {  	_ = 	snop  }
0x6: {  	_ = 	snop  }
0x7: {  	_ = 	snop  }
__scs_overlays_trampoline_lowered:
0x8: {  	[smem:$0x3FA7] =	sst s0  }
0x9: {  	[smem:$0x3FA8] =	sst s1  }
0xa: {  	[smem:$0x3FA9] =	sst s2  }
0xb: {  	[smem:$0x3FAA] =	sst s3  }
0xc: {  	[smem:$0x3FAB] =	sst s4  }
0xd: {  	[smem:$0x3FAC] =	sst s5  }
0xe: {  	[smem:$0x3FAD] =	sst s6  }
0xf: {  	[smem:$0x3FAE] =	sst s7  }
0x10: {  	[smem:$0x3FAF] =	sst s8  }
0x11: {  	[smem:$0x3FB0] =	sst s9;
	s0 =	simm.s32 @!p0 $0x0  }
0x12: {  	s1 =	sld [smem:$0x3F96];
	s0 =	simm.s32 @p0 $0x1  }
0x13: {  	[smem:$0x3FB1] =	sst s0;
	s0 =	simm.s32 @!p1 $0x0  }
0x14: {  	s2 =	sld [smem:$0x3F95];
	s0 =	simm.s32 @p1 $0x1  }
0x15: {  	[smem:$0x3FB2] =	sst s0;
	s0 =	simm.s32 @!p2 $0x0  }
0x16: {  	s3 =	sld [smem:$0x3FDB];
	s0 =	simm.s32 @p2 $0x1  }
0x17: {  	s4 =	simm.s32 $0x1BF5;
	[smem:$0x3FB4] =	sst s0  }
0x18: {  	s0 =	sld [smem:$0x3F97];
	_ =	swait.ge [sflag:s4], $0x0  }
0x19: {  	s7 =	sld [smem:$0x3F98]  }
0x1a: {  	s8 =	sadd.s32 $0xFFFFE003, lr  }
0x1b: {  	s9 =	sadd.s32 $0xFFFFFEF7, lr;
	s5 =	simm.s32 $0xFFFFFFFF;
	p2 =	slt.u32 s8, $0xFFFFF086  }
0x1c: {  	p1 =	slt.u32 s9, $0xF7A;
	s5 =	simm.s32 @!p2 $0x0  }
0x1d: {  	s5 =	simm.s32 @p1 $0x1;
	p0 =	seq.s32 s7, s2  }
0x1e: {  	s7 =	smul.u32 @!p0 $0xF7A, s2;
	p2 =	seq.s32 @!p0 s5, $0x0  }
0x1f: {  	s9 =	smul.u32 $0xF7A, s1;
	s8 =	simm.s32 @!p0 $0x1BF5;
	p2 =	por !p2, p0  }
0x20: {  	[sflag:s8] =	ssyncset.s32 @!p0 $0xFFFFF086;
	s6 =	sadd.s32 @!p0 s3, s7;
	s7 =	simm.s32 @!p0 $0x108  }
0x21: {  	s3 =	sadd.s32 s3, s9;
	s6 =	sadd.s32 @!p0 $0x88, s6;
	s7 =	simm.s32 @p2 $0x1082  }
0x22: {  	[simem:s7], [sflag:s8] =	dma.local @!p0 [hbm:s6], $0xF7A  }
0x23: {  	s9 =	sor.u32 $0xD0000000, s2;
	s6 =	simm.s32 $0x108;
	_ =	swait.ge @!p0 [sflag:s8], $0x0  }
0x24: {  	s3 =	sadd.s32 $0x88, s3;
	s6 =	simm.s32 @!p1 $0x1082;
	[sflag:s4] =	ssyncset.s32 $0xFFFFF086  }
0x25: {  	[simem:s6], [sflag:s4] =	dma.local [hbm:s3], $0xF7A  }
0x26: {  	[smem:$0x3F98] =	sst s1;
	(tag) =	ssettag s2;
	_ =	strace s9  }
0x27: {  	s1 =	sld [smem:$0x3FA8]  }
0x28: {  	s2 =	sld [smem:$0x3FA9]  }
0x29: {  	s4 =	sld [smem:$0x3FAB]  }
0x2a: {  	p0 =	seq.s32 s5, $0x0;
	s5 =	sld [smem:$0x3FAC]  }
0x2b: {  	s6 =	sld [smem:$0x3FAD]  }
0x2c: {  	s7 =	sld [smem:$0x3FAE]  }
0x2d: {  	s3 =	simm.s32 $0x108;
	s8 =	sld [smem:$0x3FAF]  }
0x2e: {  	s3 =	simm.s32 @!p0 $0x1082;
	s9 =	sld [smem:$0x3FB0]  }
0x2f: {  	lr =	sadd.s32 s0, s3;
	s0 =	sld [smem:$0x3FA7]  }
0x30: {  	s3 =	sld [smem:$0x3FAA]  }
0x31: {  	[smem:$0x3FB3] =	sst s10  }
0x32: {  	s10 =	sld [smem:$0x3FB1];
	_ =	sdelay $0x3  }
0x33: {  	p0 =	seq.s32 s10, $0x1;
	s10 =	sld [smem:$0x3FB3];
	_ =	sdelay $0x3  }
0x34: {  	[smem:$0x3FB3] =	sst s10  }
0x35: {  	s10 =	sld [smem:$0x3FB2];
	_ =	sdelay $0x3  }
0x36: {  	p1 =	seq.s32 s10, $0x1;
	s10 =	sld [smem:$0x3FB3];
	_ =	sdelay $0x3  }
0x37: {  	[smem:$0x3FB3] =	sst s10  }
0x38: {  	s10 =	sld [smem:$0x3FB4]  }
0x39: {  	_ = 	snop;
	(pc) =	sbr.ind lr, $3  }
0x3a: {  	_ = 	snop  }
0x3b: {  	_ = 	snop  }
0x3c: {  	p2 =	seq.s32 s10, $0x1;
	s10 =	sld [smem:$0x3FB3]  }
0x3d: {  	_ =	shalt  }
0x3e: {  	_ =	shalt  }
0x3f: {  	_ =	shalt  }
0x40: {  	_ =	shalt  }
0x41: {  	_ =	shalt  }
0x42: {  	_ =	shalt  }
0x43: {  	_ =	shalt  }
0x44: {  	_ =	shalt  }
0x45: {  	_ =	shalt  }
0x46: {  	_ =	shalt  }
0x47: {  	_ =	shalt  }
0x48: {  	_ =	shalt  }
0x49: {  	_ =	shalt  }
0x4a: {  	_ =	shalt  }
0x4b: {  	_ =	shalt  }
0x4c: {  	_ =	shalt  }
0x4d: {  	_ =	shalt  }
0x4e: {  	_ =	shalt  }
0x4f: {  	_ =	shalt  }
0x50: {  	_ =	shalt  }
0x51: {  	_ =	shalt  }
0x52: {  	_ =	shalt  }
0x53: {  	_ =	shalt  }
0x54: {  	_ =	shalt  }
0x55: {  	_ =	shalt  }
0x56: {  	_ =	shalt  }
0x57: {  	_ =	shalt  }
0x58: {  	_ =	shalt  }
0x59: {  	_ =	shalt  }
0x5a: {  	_ =	shalt  }
0x5b: {  	_ =	shalt  }
0x5c: {  	_ =	shalt  }
0x5d: {  	_ =	shalt  }
0x5e: {  	_ =	shalt  }
0x5f: {  	_ =	shalt  }
0x60: {  	_ =	shalt  }
0x61: {  	_ =	shalt  }
0x62: {  	_ =	shalt  }
0x63: {  	_ =	shalt  }
0x64: {  	_ =	shalt  }
0x65: {  	_ =	shalt  }
0x66: {  	_ =	shalt  }
0x67: {  	_ =	shalt  }
0x68: {  	_ =	shalt  }
0x69: {  	_ =	shalt  }
0x6a: {  	_ =	shalt  }
0x6b: {  	_ =	shalt  }
0x6c: {  	_ =	shalt  }
0x6d: {  	_ =	shalt  }
0x6e: {  	_ =	shalt  }
0x6f: {  	_ =	shalt  }
0x70: {  	_ =	shalt  }
0x71: {  	_ =	shalt  }
0x72: {  	_ =	shalt  }
0x73: {  	_ =	shalt  }
0x74: {  	_ =	shalt  }
0x75: {  	_ =	shalt  }
0x76: {  	_ =	shalt  }
0x77: {  	_ =	shalt  }
0x78: {  	_ =	shalt  }
0x79: {  	_ =	shalt  }
0x7a: {  	_ =	shalt  }
0x7b: {  	_ =	shalt  }
0x7c: {  	_ =	shalt  }
0x7d: {  	_ =	shalt  }
0x7e: {  	_ =	shalt  }
0x7f: {  	_ =	shalt  }
0x80: {  	_ =	shalt  }
0x81: {  	_ =	shalt  }
0x82: {  	_ =	shalt  }
0x83: {  	_ =	shalt  }
0x84: {  	_ =	shalt  }
0x85: {  	_ =	shalt  }
0x86: {  	_ =	shalt  }
0x87: {  	_ =	shalt  }
.Lfunc_end0:
.L_simem_size_0:
called_computation.8_lowered:
.L_overlay_start_0:
0x88: {  	s0 =	sld [smem:$0x3FD9]  }
0x89: {  	s1 =	sld [smem:$0x3FFE];
	_ =	sdelay $0x3  }
0x8a: {  	s0 =	sadd.s32 s1, s0  }
0x8b: {  	[smem:$0x3FBF] =	sst s0  }
0x8c: {  	_ = 	snop  }
0x8d: {  	s0 =	sld [smem:$0x3FD0];
	_ =	sdelay $0x2  }
0x8e: {  	s13 =	simm.s32 $0xD;
	s2 =	simm.s32 $0x10  }
0x8f: {  	[smem:s2], [sflag:s13] =	dma.local [hbm:s0], $0x1  }
0x90: {  	_ =	swait.eq [sflag:s13], $0x1  }
0x91: {  	[sflag:s13] =	ssyncset.done $0x0  }
0x92: {  	s14 =	sld [smem:$0x11];
	[sflag:s13] =	ssyncadd.s32 $0xFFFFFFFF  }
0x93: {  	s15 =	sld [smem:$0x12];
	(tm) =	ssettm $0x1  }
0x94: {  	s16 =	sld [smem:$0x3FFB];
	_ =	sdelay $0x3  }
0x95: {  	_ =	strace s16  }
0x96: {  	s2 =	sld [smem:$0x3FFC];
	_ =	sdelay $0x3  }
0x97: {  	_ =	strace s2  }
0x98: {  	s2 =	sld [smem:$0x3FFD];
	_ =	sdelay $0x3  }
0x99: {  	_ =	strace s2  }
0x9a: {  	_ =	strace $0x8FFFFFFF  }
0x9b: {  	s17 =	sld [smem:$0x3FDB];
	_ =	sdelay $0x1  }
0x9c: {  	s3 =	simm.s32 $_scs_section_size  }
0x9d: {  	s4 =	simm.s32 $_size__tile_overlayer_lowered;
	s5 =	simm.s32 $_tile_overlayer_lowered  }
0x9e: {  	s20 =	simm.s32 $0x1BFF;
	s19 =	sshll.u32 s5, $0x1;
	s2 =	sadd.s32 s3, s17  }
0x9f: {  	s6 =	simm.s32 $0x0;
	s18 =	sshll.u32 s4, $0x1;
	s4 =	sadd.s32 s19, s2  }
0xa0: {  	[timem:s6], [sflag:s20] =	dma.local [hbm:s4], s18  }
0xa1: {  	_ =	swait.ge [sflag:s20], s18  }
0xa2: {  	s3 =	ssub.s32 $0x0, s18;
	[sflag:s20] =	ssyncset.done $0x0  }
0xa3: {  	[sflag:s20] =	ssyncadd.s32 s3;
	_ =	sdelay $0x1  }
0xa4: {  	s21 =	simm.s32 $0x1B8B  }
0xa5: {  	_ =	swait.ge [sflag:s21], $0x1  }
0xa6: {  	[sflag:s21] =	ssyncset.done $0x0  }
0xa7: {  	s23 =	simm.s32 $0x1B8E;
	s22 =	sld [smem:$0x3FFE];
	[sflag:s21] =	ssyncadd.s32 $0xFFFFFFFF  }
0xa8: {  	s24 =	simm.s32 $execute0_lowered;
	[smem:$0x3FD2] =	sst s23  }
0xa9: {  	s4 =	sshll.u32 s24, $0x1;
	_ =	strace $0x8000004C;
	[dreg:$0x1] =	wrdreg $0xFFFFFFFF  }
0xaa: {  	s25 =	simm.s32 $_size_execute0_lowered;
	s2 =	sadd.s32 s2, s4;
	[dreg:$0x0] =	wrdreg $0x0  }
0xab: {  	s4 =	sshll.u32 s25, $0x1;
	[dreg:$0x2] =	wrdreg s2  }
0xac: {  	[dreg:$0x3] =	wrdreg s4  }
0xad: {  	[dreg:$0x4] =	wrdreg $0xC0  }
0xae: {  	_ =	task [dreg:s6], $0x5FFFF  }
0xaf: {  	[dreg:$0x1] =	wrdreg $0xFFFFFFFF  }
0xb0: {  	[dreg:$0x0] =	wrdreg $0x60  }
0xb1: {  	[dreg:$0x2] =	wrdreg s22  }
0xb2: {  	[dreg:$0x3] =	wrdreg s14  }
0xb3: {  	[dreg:$0x4] =	wrdreg s15  }
0xb4: {  	[dreg:$0x5] =	wrdreg $0x9  }
0xb5: {  	_ =	task.clear_ibuf [dreg:s6], $0x6FFFF;
	_ =	strace $0x9000004C  }
0xb6: {  	s26 =	simm.s32 $0x9;
	_ =	strace $0x8000004E  }
0xb7: {  	_ =	swait.ge [sflag:s26], $0x1  }
0xb8: {  	[sflag:s26] =	ssyncadd.s32 $0xFFFFFFFF  }
0xb9: {  	_ =	strace $0x9000004E  }
0xba: {  	_ =	sfence  }
0xbb: {  	s28 =	sld [smem:$0x0];
	_ =	sdelay $0x1  }
0xbc: {  	s29 =	srdreg.scid  }
0xbd: {  	s30 =	sshll.u32 s29, $0xD;
	s31 =	sshrl.u32 s29, $0x2  }
0xbe: {  	s1 =	sand.u32 $0x1, s29;
	s2 =	sand.u32 $0x4000, s30;
	s0 =	sadd.s32 s31, s28  }
0xbf: {  	s1 =	sor.u32 s2, s1;
	s0 =	sshll.u32 s0, $0x11  }
0xc0: {  	s0 =	sor.u32 s0, s1  }
0xc1: {  	s0 =	sadd.s32 $0x8F2B, s0  }
0xc2: {  	[sflag:s0] =	ssyncadd.remote.s32 $0x1  }
0xc3: {  	_ =	sfence.sel $0xFFFF  }
0xc4: {  	[dreg:$0x0] =	wrdreg $0xFFFFFFFF;
	(pc) =	sbr.abs _section_cstart, $3  }
0xc5: {  	[dreg:$0x1] =	wrdreg $0xFFFFFFFF  }
0xc6: {  	_ =	task.clear_ibuf [dreg:s6], $0x2FFFF;
	_ =	strace $0x9FFFFFFF  }
0xc7: {  	(tm) =	ssettm $0x7FFFFFFF  }
tec
execute0_lowered:
.L_overlay_start_1:
0x0: {  	(tag) =	ssettag $0x1  }
0x1: {  	s8 =	rddreg [dreg:$0x0]  }
0x2: {  	s2 =	rddreg [dreg:$0x1]  }
0x3: {  	s3 =	rddreg [dreg:$0x2]  }
0x4: {  	s0 =	rddreg [dreg:$0x3];
	s1 =	stileid.u32;
	_ =	strace $0x8000004D  }
0x5: {  	s5 =	simm.s32 $0x1;
	s6 =	simm.s32 $0x500;
	s9 =	simm.s32 $0x1  }
0x6: {  	s10 =	simm.s32 $0x3;
	s13 =	simm.s32 $0x0;
	s4 =	smul.u32 $0x50, s1  }
0x7: {  	s12 =	simm.s32 $0x0;
	p0 =	slt.u32 s1, $0xA;
	[sflag:s5] =	ssyncpa.u1 $0x0  }
.Ltmp0:
0x8: {  	s6 =	simm.s32 @!p0 $0x0;
	s7 =	ssub.s32 $0x7D0, s4;
	(pc) =	sbr.rel .LBB2_1-.Ltmp0, $4  }
0x9: {  	s9 =	simm.s32 @!p0 $0x0;
	p0 =	sne.s32 s7, s6;
	s7 =	simm.s32 $0x1  }
0xa: {  	s8 =	sadd.s32 $0x600, s8;
	s6 =	simm.s32 $0x2;
	s7 =	simm.s32 @!p0 $0x0  }
0xb: {  	s11 =	smov.u32 s4;
	[sflag:s6] =	ssyncpa.u1 $0x0;
	s7 =	sadd.s32 s9, s7  }
0xc: {  	vm0 =	vmmov $0xffff;
	[sflag:s10] =	ssyncpa.u1 $0x0;
	s10 =	simm.s32 $0x0;
	s9 =	sadd.s32 $0x1, s7  }
.LBB2_4:
0xd: {  	v2 =	vnsel vm1, $0x0, v2  }
0xe: {  	vm1 =	vgt.s32 v0, $0x0;
	v2 =	vmin.u32 v2, $0x2EDF  }
0xf: {  	v0 =	vnsel vm1, $0x0, v0  }
0x10: {  	v0 =	vmin.u32 v0, $0x2EDF  }
0x11: {  	[tilespmem:s18], [sflag:$0x1] =	stream.indirect_vreg.gather [hbm4b:s8+s10], $0x1, v1, vm0, $0x4038;
	[tilespmem:$0x140] =	vst v63  }
0x12: {  	(ifvalue) =	ssetifvalue $0x7FFFFFFF  }
0x13: {  	[tilespmem:s15], [sflag:$0x1] =	stream.indirect_vreg.gather [hbm4b:s8+s10], $0x1, v2, vm0, $0x4038;
	[tilespmem:$0x140] =	vst v63  }
0x14: {  	s29 =	sadd.s32 $0x10, s15;
	(ifvalue) =	ssetifvalue $0x7FFFFFFF  }
0x15: {  	[tilespmem:s29], [sflag:$0x1] =	stream.indirect_vreg.gather [hbm4b:s8+s10], $0x1, v0, vm0, $0x4038;
	[tilespmem:$0x140] =	vst v63  }
0x16: {  	_ =	swait.ge [sflag:s5], $0x50  }
0x17: {  	s30 =	sshrl.u32 s13, $0x3;
	[sflag:s5] =	ssyncset.done $0x0  }
0x18: {  	s31 =	sand.u32 $0x7, s13;
	s15 =	sadd.s32 s3, s30;
	[sflag:s5] =	ssyncadd.s32 $0xFFFFFFB0  }
0x19: {  	[hbm4b:s15+s31] =	stream.linear.scatter [tilespmem:s14], [sflag:$0x3], $0x50, $0x38;
	[tilespmem:$0x140] =	vst v63  }
.LBB2_5:
0x1a: {  	s15 =	sadd.s32 $0x500, s11  }
0x1b: {  	p1 =	sgt.s32 s15, $0x7CF  }
0x1c: {  	s15 =	smov.u32 @p1 s4;
	p1 =	sne.s32 s12, s9  }
.Ltmp1:
0x1d: {  	p0 =	slt.u32 s12, $0x2;
	(pc) =	sbr.rel @!p1 .LBB2_6-.Ltmp1, $4  }
0x1e: {  	s14 =	simm.s32 @!p0 $0x3  }
0x1f: {  	_ =	swait.ge @!p0 [sflag:s14], $0x50  }
0x20: {  	s16 =	sadd.s32 $0x1, s12;
	s13 =	smov.u32 s11;
	[sflag:s14] =	ssyncset.done @!p0 $0x0  }
0x21: {  	s12 =	smov.u32 s16;
	s11 =	smov.u32 s15;
	[sflag:s14] =	ssyncadd.s32 @!p0 $0xFFFFFFB0  }
.LBB2_1:
0x22: {  	p0 =	sge.u32 s12, s7  }
0x23: {  	s14 =	sxor.u32 @!p0 $0x1, s12  }
0x24: {  	s14 =	smul.u32 @!p0 $0x140, s14  }
0x25: {  	s31 =	sadd.s32 $0xFFFFFFFF, s12;
	s15 =	sshrl.u32 @!p0 s11, $0x3  }
0x26: {  	s16 =	sand.u32 @!p0 $0x7, s11;
	s15 =	sadd.s32 @!p0 s2, s15;
	s14 =	sshra.s32 @!p0 s14, $0x2  }
0x27: {  	[tilespmem:s14], [sflag:$0x2] =	stream.linear.gather @!p0 [hbm4b:s15+s16], $0x50, $0x38;
	[tilespmem:$0x140] =	vst v63  }
0x28: {  	p0 =	sge.u32 s31, s7  }
.Ltmp2:
0x29: {  	_ = 	snop;
	(pc) =	sbr.rel @p0 .LBB2_5-.Ltmp2, $1  }
0x2a: {  	_ =	sdelay $0x3  }
0x2b: {  	s14 =	sand.u32 $0x1, s12  }
0x2c: {  	_ =	swait.ge [sflag:s6], $0x50;
	p0 =	seq.s32 s14, $0x1;
	s14 =	simm.s32 $0x50  }
0x2d: {  	[sflag:s6] =	ssyncset.done $0x0;
	s14 =	simm.s32 @!p0 $0x0  }
0x2e: {  	[sflag:s6] =	ssyncadd.s32 $0xFFFFFFB0;
	(ifvalue) =	ssetifvalue $0x7FFFFFFF;
	v0 =	vld.msk [tilespmem:s14+$0x0 ss:$0x1], $0xffff;
	_ =	sdelay $0x4  }
0x2f: {  	s15 =	sadd.s32 $0x10, s14;
	vm1 =	vgt.s32 v0, $0x0  }
0x30: {  	v2 =	vld.msk [tilespmem:s15+$0x0 ss:$0x1], $0xffff;
	v1 =	vnsel vm1, $0x0, v0  }
0x31: {  	v1 =	vmin.u32 v1, $0x2EDF;
	_ =	sdelay $0x2  }
0x32: {  	s17 =	simm.s32 $0x20;
	s14 =	sor.u32 $0xA0, s14;
	s16 =	sadd.s32 $0x10, s15  }
0x33: {  	s15 =	sadd.s32 $0x10, s14;
	s18 =	smov.u32 s14;
	v0 =	vld.msk [tilespmem:s16+$0x0 ss:$0x1], $0xffff;
	vm1 =	vgt.s32 v2, $0x0;
	(ifvalue) =	ssetifvalue $0x7FFFFFFF  }
.LBB2_3:
0x34: {  	[tilespmem:s18], [sflag:$0x1] =	stream.indirect_vreg.gather [hbm4b:s8+s10], $0x1, v1, vm0, $0x4038;
	[tilespmem:$0x140] =	vst v63  }
0x35: {  	s17 =	sadd.s32 $0x10, s17  }
0x36: {  	v2 =	vnsel vm1, $0x0, v2;
	p0 =	slt.u32 s17, $0x40  }
.Ltmp3:
0x37: {  	s18 =	smov.u32 s15;
	v1 =	vmin.u32 v2, $0x2EDF;
	(pc) =	sbr.rel @p0 .LBB2_3-.Ltmp3, $3  }
0x38: {  	_ =	sdelay $0x1  }
0x39: {  	s16 =	sadd.s32 $0x10, s16  }
0x3a: {  	vm1 =	vgt.s32 v0, $0x0;
	s15 =	sadd.s32 $0x10, s15;
	v2 =	vmov v0;
	(ifvalue) =	ssetifvalue $0x7FFFFFFF;
	v0 =	vld.msk [tilespmem:s16+$0x0 ss:$0x1], $0xffff  }
.Ltmp4:
0x3b: {  	_ = 	snop;
	(pc) =	sbr.rel .LBB2_4-.Ltmp4, $1  }
0x3c: {  	_ =	sdelay $0x3  }
.LBB2_6:
0x3d: {  	_ =	sfence.sel $0x180000  }
0x3e: {  	s2 =	simm.s32 $0x2;
	[bflag:$0x0] =	sbarrier.arrive $0xFFFF  }
0x3f: {  	s30 =	simm.s32 $0x3;
	[sflag:s2] =	ssyncpa.u1 $0x1  }
0x40: {  	s31 =	simm.s32 $0x1;
	[sflag:s30] =	ssyncpa.u1 $0x1  }
0x41: {  	[sflag:s31] =	ssyncpa.u1 $0x1  }
0x42: {  	p0 =	sne.s32 s1, $0x0;
	_ =	strace $0x9000004D  }
0x43: {  	s0 =	sadd.s32 @!p0 $0x100000, s0;
	[bflag:$0x2] =	sbarrier.arrive $0xFFFF  }
0x44: {  	[sflag:s0] =	ssyncadd.tile.s32 @!p0 $0x1;
	_ =	shalt  }
.Lfunc_end2:
_tile_overlayer_lowered:
.L_overlay_start_2:
0x45: {  	(tag) =	ssettag $0x2  }
0x46: {  	s0 =	rddreg [dreg:$0x0];
	s2 =	stileid.u32  }
0x47: {  	s1 =	rddreg [dreg:$0x1];
	p0 =	sne.s32 s2, $0x0  }
0x48: {  	s3 =	rddreg [dreg:$0x2];
	[bflag:$0x3] =	sbarrier.arrive $0xFFFF;
	s2 =	simm.s32 @!p0 $0x1C01  }
0x49: {  	[timem:s3], [sflag:s2] =	dma.local @!p0 [hbm:s0], s1  }
0x4a: {  	s0 =	simm.s32 @!p0 $0x1  }
0x4b: {  	_ =	swait.ge @!p0 [sflag:s0], s1  }
0x4c: {  	s1 =	ssub.s32 @!p0 $0x0, s1;
	[sflag:s0] =	ssyncset.done @!p0 $0x0  }
0x4d: {  	[sflag:s0] =	ssyncadd.s32 @!p0 s1  }
0x4e: {  	[bflag:$0x3] =	sbarrier.arrive $0xFFFF  }
0x4f: {  	_ =	shalt  }

// kernel: gather_offload_async_start.7
scs
__scs_entry_jumppad:
0x0: {  	(pc) =	sbr.rel $0x88, $3  }
0x1: {  	(tag) =	ssettag $0x0;
	lr =	simm.s32 $0x1  }
0x2: {  	[smem:$0x3F98] =	sst lr;
	_ =	strace $0xD0000000  }
0x3: {  	_ = 	snop  }
0x4: {  	_ = 	snop  }
0x5: {  	_ = 	snop  }
0x6: {  	_ = 	snop  }
0x7: {  	_ = 	snop  }
__scs_overlays_trampoline_lowered:
0x8: {  	[smem:$0x3FA7] =	sst s0  }
0x9: {  	[smem:$0x3FA8] =	sst s1  }
0xa: {  	[smem:$0x3FA9] =	sst s2  }
0xb: {  	[smem:$0x3FAA] =	sst s3  }
0xc: {  	[smem:$0x3FAB] =	sst s4  }
0xd: {  	[smem:$0x3FAC] =	sst s5  }
0xe: {  	[smem:$0x3FAD] =	sst s6  }
0xf: {  	[smem:$0x3FAE] =	sst s7  }
0x10: {  	[smem:$0x3FAF] =	sst s8  }
0x11: {  	[smem:$0x3FB0] =	sst s9;
	s0 =	simm.s32 @!p0 $0x0  }
0x12: {  	s1 =	sld [smem:$0x3F96];
	s0 =	simm.s32 @p0 $0x1  }
0x13: {  	[smem:$0x3FB1] =	sst s0;
	s0 =	simm.s32 @!p1 $0x0  }
0x14: {  	s2 =	sld [smem:$0x3F95];
	s0 =	simm.s32 @p1 $0x1  }
0x15: {  	[smem:$0x3FB2] =	sst s0;
	s0 =	simm.s32 @!p2 $0x0  }
0x16: {  	s3 =	sld [smem:$0x3FDB];
	s0 =	simm.s32 @p2 $0x1  }
0x17: {  	s4 =	simm.s32 $0x1BF5;
	[smem:$0x3FB4] =	sst s0  }
0x18: {  	s0 =	sld [smem:$0x3F97];
	_ =	swait.ge [sflag:s4], $0x0  }
0x19: {  	s7 =	sld [smem:$0x3F98]  }
0x1a: {  	s8 =	sadd.s32 $0xFFFFE003, lr  }
0x1b: {  	s9 =	sadd.s32 $0xFFFFFEF7, lr;
	s5 =	simm.s32 $0xFFFFFFFF;
	p2 =	slt.u32 s8, $0xFFFFF086  }
0x1c: {  	p1 =	slt.u32 s9, $0xF7A;
	s5 =	simm.s32 @!p2 $0x0  }
0x1d: {  	s5 =	simm.s32 @p1 $0x1;
	p0 =	seq.s32 s7, s2  }
0x1e: {  	s7 =	smul.u32 @!p0 $0xF7A, s2;
	p2 =	seq.s32 @!p0 s5, $0x0  }
0x1f: {  	s9 =	smul.u32 $0xF7A, s1;
	s8 =	simm.s32 @!p0 $0x1BF5;
	p2 =	por !p2, p0  }
0x20: {  	[sflag:s8] =	ssyncset.s32 @!p0 $0xFFFFF086;
	s6 =	sadd.s32 @!p0 s3, s7;
	s7 =	simm.s32 @!p0 $0x108  }
0x21: {  	s3 =	sadd.s32 s3, s9;
	s6 =	sadd.s32 @!p0 $0x88, s6;
	s7 =	simm.s32 @p2 $0x1082  }
0x22: {  	[simem:s7], [sflag:s8] =	dma.local @!p0 [hbm:s6], $0xF7A  }
0x23: {  	s9 =	sor.u32 $0xD0000000, s2;
	s6 =	simm.s32 $0x108;
	_ =	swait.ge @!p0 [sflag:s8], $0x0  }
0x24: {  	s3 =	sadd.s32 $0x88, s3;
	s6 =	simm.s32 @!p1 $0x1082;
	[sflag:s4] =	ssyncset.s32 $0xFFFFF086  }
0x25: {  	[simem:s6], [sflag:s4] =	dma.local [hbm:s3], $0xF7A  }
0x26: {  	[smem:$0x3F98] =	sst s1;
	(tag) =	ssettag s2;
	_ =	strace s9  }
0x27: {  	s1 =	sld [smem:$0x3FA8]  }
0x28: {  	s2 =	sld [smem:$0x3FA9]  }
0x29: {  	s4 =	sld [smem:$0x3FAB]  }
0x2a: {  	p0 =	seq.s32 s5, $0x0;
	s5 =	sld [smem:$0x3FAC]  }
0x2b: {  	s6 =	sld [smem:$0x3FAD]  }
0x2c: {  	s7 =	sld [smem:$0x3FAE]  }
0x2d: {  	s3 =	simm.s32 $0x108;
	s8 =	sld [smem:$0x3FAF]  }
0x2e: {  	s3 =	simm.s32 @!p0 $0x1082;
	s9 =	sld [smem:$0x3FB0]  }
0x2f: {  	lr =	sadd.s32 s0, s3;
	s0 =	sld [smem:$0x3FA7]  }
0x30: {  	s3 =	sld [smem:$0x3FAA]  }
0x31: {  	[smem:$0x3FB3] =	sst s10  }
0x32: {  	s10 =	sld [smem:$0x3FB1];
	_ =	sdelay $0x3  }
0x33: {  	p0 =	seq.s32 s10, $0x1;
	s10 =	sld [smem:$0x3FB3];
	_ =	sdelay $0x3  }
0x34: {  	[smem:$0x3FB3] =	sst s10  }
0x35: {  	s10 =	sld [smem:$0x3FB2];
	_ =	sdelay $0x3  }
0x36: {  	p1 =	seq.s32 s10, $0x1;
	s10 =	sld [smem:$0x3FB3];
	_ =	sdelay $0x3  }
0x37: {  	[smem:$0x3FB3] =	sst s10  }
0x38: {  	s10 =	sld [smem:$0x3FB4]  }
0x39: {  	_ = 	snop;
	(pc) =	sbr.ind lr, $3  }
0x3a: {  	_ = 	snop  }
0x3b: {  	_ = 	snop  }
0x3c: {  	p2 =	seq.s32 s10, $0x1;
	s10 =	sld [smem:$0x3FB3]  }
0x3d: {  	_ =	shalt  }
0x3e: {  	_ =	shalt  }
0x3f: {  	_ =	shalt  }
0x40: {  	_ =	shalt  }
0x41: {  	_ =	shalt  }
0x42: {  	_ =	shalt  }
0x43: {  	_ =	shalt  }
0x44: {  	_ =	shalt  }
0x45: {  	_ =	shalt  }
0x46: {  	_ =	shalt  }
0x47: {  	_ =	shalt  }
0x48: {  	_ =	shalt  }
0x49: {  	_ =	shalt  }
0x4a: {  	_ =	shalt  }
0x4b: {  	_ =	shalt  }
0x4c: {  	_ =	shalt  }
0x4d: {  	_ =	shalt  }
0x4e: {  	_ =	shalt  }
0x4f: {  	_ =	shalt  }
0x50: {  	_ =	shalt  }
0x51: {  	_ =	shalt  }
0x52: {  	_ =	shalt  }
0x53: {  	_ =	shalt  }
0x54: {  	_ =	shalt  }
0x55: {  	_ =	shalt  }
0x56: {  	_ =	shalt  }
0x57: {  	_ =	shalt  }
0x58: {  	_ =	shalt  }
0x59: {  	_ =	shalt  }
0x5a: {  	_ =	shalt  }
0x5b: {  	_ =	shalt  }
0x5c: {  	_ =	shalt  }
0x5d: {  	_ =	shalt  }
0x5e: {  	_ =	shalt  }
0x5f: {  	_ =	shalt  }
0x60: {  	_ =	shalt  }
0x61: {  	_ =	shalt  }
0x62: {  	_ =	shalt  }
0x63: {  	_ =	shalt  }
0x64: {  	_ =	shalt  }
0x65: {  	_ =	shalt  }
0x66: {  	_ =	shalt  }
0x67: {  	_ =	shalt  }
0x68: {  	_ =	shalt  }
0x69: {  	_ =	shalt  }
0x6a: {  	_ =	shalt  }
0x6b: {  	_ =	shalt  }
0x6c: {  	_ =	shalt  }
0x6d: {  	_ =	shalt  }
0x6e: {  	_ =	shalt  }
0x6f: {  	_ =	shalt  }
0x70: {  	_ =	shalt  }
0x71: {  	_ =	shalt  }
0x72: {  	_ =	shalt  }
0x73: {  	_ =	shalt  }
0x74: {  	_ =	shalt  }
0x75: {  	_ =	shalt  }
0x76: {  	_ =	shalt  }
0x77: {  	_ =	shalt  }
0x78: {  	_ =	shalt  }
0x79: {  	_ =	shalt  }
0x7a: {  	_ =	shalt  }
0x7b: {  	_ =	shalt  }
0x7c: {  	_ =	shalt  }
0x7d: {  	_ =	shalt  }
0x7e: {  	_ =	shalt  }
0x7f: {  	_ =	shalt  }
0x80: {  	_ =	shalt  }
0x81: {  	_ =	shalt  }
0x82: {  	_ =	shalt  }
0x83: {  	_ =	shalt  }
0x84: {  	_ =	shalt  }
0x85: {  	_ =	shalt  }
0x86: {  	_ =	shalt  }
0x87: {  	_ =	shalt  }
.Lfunc_end0:
.L_simem_size_0:
called_computation.9_lowered:
.L_overlay_start_0:
0x88: {  	s0 =	sld [smem:$0x3FD9]  }
0x89: {  	s1 =	sld [smem:$0x3FFE];
	_ =	sdelay $0x3  }
0x8a: {  	s0 =	sadd.s32 s1, s0  }
0x8b: {  	[smem:$0x3FBF] =	sst s0  }
0x8c: {  	_ = 	snop  }
0x8d: {  	s0 =	sld [smem:$0x3FD0];
	_ =	sdelay $0x2  }
0x8e: {  	s13 =	simm.s32 $0xD;
	s2 =	simm.s32 $0x10  }
0x8f: {  	[smem:s2], [sflag:s13] =	dma.local [hbm:s0], $0x1  }
0x90: {  	_ =	swait.eq [sflag:s13], $0x1  }
0x91: {  	[sflag:s13] =	ssyncset.done $0x0  }
0x92: {  	[sflag:s13] =	ssyncadd.s32 $0xFFFFFFFF  }
0x93: {  	s14 =	sld [smem:$0x10];
	(tm) =	ssettm $0x1  }
0x94: {  	s15 =	sld [smem:$0x3FFB];
	_ =	sdelay $0x3  }
0x95: {  	_ =	strace s15  }
0x96: {  	s1 =	sld [smem:$0x3FFC];
	_ =	sdelay $0x3  }
0x97: {  	_ =	strace s1  }
0x98: {  	s1 =	sld [smem:$0x3FFD];
	_ =	sdelay $0x3  }
0x99: {  	_ =	strace s1  }
0x9a: {  	_ =	strace $0x8FFFFFFF  }
0x9b: {  	s16 =	sld [smem:$0x3FDB];
	_ =	sdelay $0x1  }
0x9c: {  	s17 =	simm.s32 $_scs_section_size  }
0x9d: {  	s3 =	simm.s32 $_size__tile_overlayer_lowered;
	s4 =	simm.s32 $_tile_overlayer_lowered  }
0x9e: {  	s20 =	simm.s32 $0x1BFF;
	s19 =	sshll.u32 s4, $0x1;
	s1 =	sadd.s32 s17, s16  }
0x9f: {  	s5 =	simm.s32 $0x0;
	s18 =	sshll.u32 s3, $0x1;
	s3 =	sadd.s32 s19, s1  }
0xa0: {  	[timem:s5], [sflag:s20] =	dma.local [hbm:s3], s18  }
0xa1: {  	_ =	swait.ge [sflag:s20], s18  }
0xa2: {  	s2 =	ssub.s32 $0x0, s18;
	[sflag:s20] =	ssyncset.done $0x0  }
0xa3: {  	[sflag:s20] =	ssyncadd.s32 s2;
	_ =	sdelay $0x1  }
0xa4: {  	s21 =	simm.s32 $0x1B8B  }
0xa5: {  	_ =	swait.ge [sflag:s21], $0x1  }
0xa6: {  	[sflag:s21] =	ssyncset.done $0x0  }
0xa7: {  	s23 =	simm.s32 $0x1B8E;
	s22 =	sld [smem:$0x3FFE];
	[sflag:s21] =	ssyncadd.s32 $0xFFFFFFFF  }
0xa8: {  	s24 =	simm.s32 $execute0_lowered;
	[smem:$0x3FD2] =	sst s23  }
0xa9: {  	s3 =	sshll.u32 s24, $0x1;
	_ =	strace $0x80000055;
	[dreg:$0x1] =	wrdreg $0xFFFFFFFF  }
0xaa: {  	s25 =	simm.s32 $_size_execute0_lowered;
	s1 =	sadd.s32 s1, s3;
	[dreg:$0x0] =	wrdreg $0x0  }
0xab: {  	s3 =	sshll.u32 s25, $0x1;
	[dreg:$0x2] =	wrdreg s1  }
0xac: {  	[dreg:$0x3] =	wrdreg s3  }
0xad: {  	[dreg:$0x4] =	wrdreg $0xC0  }
0xae: {  	_ =	task [dreg:s5], $0x5FFFF  }
0xaf: {  	[dreg:$0x1] =	wrdreg $0xFFFFFFFF  }
0xb0: {  	[dreg:$0x0] =	wrdreg $0x60  }
0xb1: {  	[dreg:$0x2] =	wrdreg s14  }
0xb2: {  	[dreg:$0x3] =	wrdreg s22  }
0xb3: {  	[dreg:$0x4] =	wrdreg $0xC  }
0xb4: {  	_ =	task.clear_ibuf [dreg:s5], $0x5FFFF;
	_ =	strace $0x90000055  }
0xb5: {  	s26 =	simm.s32 $0xC;
	_ =	strace $0x80000057  }
0xb6: {  	_ =	swait.ge [sflag:s26], $0x1  }
0xb7: {  	[sflag:s26] =	ssyncadd.s32 $0xFFFFFFFF  }
0xb8: {  	_ =	strace $0x90000057  }
0xb9: {  	_ =	sfence  }
0xba: {  	s28 =	sld [smem:$0x0];
	_ =	sdelay $0x1  }
0xbb: {  	s29 =	srdreg.scid  }
0xbc: {  	s30 =	sshll.u32 s29, $0xD;
	s31 =	sshrl.u32 s29, $0x2  }
0xbd: {  	s2 =	sand.u32 $0x4000, s30;
	s1 =	sand.u32 $0x1, s29;
	s0 =	sadd.s32 s31, s28  }
0xbe: {  	s1 =	sor.u32 s2, s1;
	s0 =	sshll.u32 s0, $0x11  }
0xbf: {  	s0 =	sor.u32 s0, s1  }
0xc0: {  	s0 =	sadd.s32 $0x8F2B, s0  }
0xc1: {  	[sflag:s0] =	ssyncadd.remote.s32 $0x1  }
0xc2: {  	_ =	sfence.sel $0xFFFF  }
0xc3: {  	[dreg:$0x0] =	wrdreg $0xFFFFFFFF;
	(pc) =	sbr.abs _section_cstart, $3  }
0xc4: {  	[dreg:$0x1] =	wrdreg $0xFFFFFFFF  }
0xc5: {  	_ =	task.clear_ibuf [dreg:s5], $0x2FFFF;
	_ =	strace $0x9FFFFFFF  }
0xc6: {  	(tm) =	ssettm $0x7FFFFFFF  }
0xc7: {  	_ =	shalt  }
tec
execute0_lowered:
.L_overlay_start_1:
0x0: {  	(tag) =	ssettag $0x1  }
0x1: {  	s0 =	stileid.u32  }
0x2: {  	s1 =	smin.u32 s0, $0x9  }
0x3: {  	s1 =	sadd.s32 s0, s1  }
0x4: {  	s2 =	simm.s32 $0xA0;
	p0 =	slt.u32 s0, $0x9;
	s1 =	smul.u32 $0x50, s1  }
0x5: {  	s2 =	simm.s32 @!p0 $0x50  }
0x6: {  	s2 =	sadd.s32 s2, s1  }
0x7: {  	s3 =	smin.u32 s2, $0x7D0  }
0x8: {  	s7 =	ssub.s32 s3, s1  }
0x9: {  	p0 =	sgt.s32 s7, $0x0  }
0xa: {  	s7 =	simm.s32 @!p0 $0x0  }
0xb: {  	s4 =	rddreg [dreg:$0x0];
	s31 =	smul.u32 $0xCCCD, s7  }
0xc: {  	s9 =	rddreg [dreg:$0x1];
	s6 =	simm.s32 $0x1  }
0xd: {  	s11 =	simm.s32 $0x3;
	s13 =	simm.s32 $0x0;
	s8 =	sshrl.u32 s31, $0x16  }
0xe: {  	s12 =	simm.s32 $0x0;
	s5 =	sadd.s32 $0x401800, s9;
	s10 =	smul.u32 $0x50, s8  }
.Ltmp0:
0xf: {  	s9 =	sadd.s32 $0x409E00, s9;
	s2 =	rddreg [dreg:$0x2];
	(pc) =	sbr.rel .LBB2_1-.Ltmp0, $4  }
0x10: {  	_ =	strace $0x80000056;
	p0 =	sne.s32 s7, s10;
	s10 =	simm.s32 $0x1  }
0x11: {  	[sflag:s6] =	ssyncpa.u1 $0x0;
	s7 =	simm.s32 $0x2;
	s10 =	simm.s32 @!p0 $0x0  }
0x12: {  	[sflag:s7] =	ssyncpa.u1 $0x0;
	p0 =	por $0x0, $0x0;
	s8 =	sadd.s32 s8, s10  }
0x13: {  	vm0 =	vmmov $0xff;
	vm1 =	vcmask $0x3F20;
	[sflag:s11] =	ssyncpa.u1 $0x0;
	s11 =	smov.u32 s1;
	s10 =	sadd.s32 $0x1, s8  }
.LBB2_6:
0x14: {  	[hbm:s17] =	stream.linear.scatter [tilespmem:s14], [sflag:$0x3], $0x400, $0x38;
	[tilespmem:$0x50A0] =	vst v63  }
.LBB2_7:
0x15: {  	s13 =	sadd.s32 $0x50, s11  }
0x16: {  	s15 =	smov.u32 s1;
	p2 =	slt.s32 s13, s3  }
0x17: {  	s15 =	smov.u32 @p2 s13;
	p2 =	sne.s32 s12, s10  }
.Ltmp1:
0x18: {  	p1 =	slt.u32 s12, $0x2;
	(pc) =	sbr.rel @!p2 .LBB2_8-.Ltmp1, $4  }
0x19: {  	s14 =	simm.s32 @!p1 $0x3  }
0x1a: {  	s16 =	sadd.s32 $0x1, s12;
	_ =	swait.ge @!p1 [sflag:s14], $0x2800  }
0x1b: {  	p0 =	por !p0, !p0;
	s13 =	smov.u32 s11;
	[sflag:s14] =	ssyncset.done @!p1 $0x0  }
0x1c: {  	s12 =	smov.u32 s16;
	s11 =	smov.u32 s15;
	[sflag:s14] =	ssyncadd.s32 @!p1 $0xFFFFD800  }
.LBB2_1:
0x1d: {  	p1 =	sge.u32 s12, s8  }
0x1e: {  	s14 =	sxor.u32 @!p1 $0xFFFFFFFF, s12  }
0x1f: {  	s14 =	sand.u32 @!p1 $0x1, s14  }
0x20: {  	s14 =	smul.u32 @!p1 $0x140, s14  }
0x21: {  	s31 =	sadd.s32 $0xFFFFFFFF, s12;
	s15 =	sshrl.u32 @!p1 s11, $0x3  }
0x22: {  	s16 =	sand.u32 @!p1 $0x7, s11;
	s15 =	sadd.s32 @!p1 s5, s15;
	s14 =	sshrl.u32 @!p1 s14, $0x2  }
0x23: {  	[tilespmem:s14], [sflag:$0x2] =	stream.linear.gather @!p1 [hbm4b:s15+s16], $0x50, $0x38;
	[tilespmem:$0x50A0] =	vst v63  }
0x24: {  	p1 =	sge.u32 s31, s8  }
.Ltmp2:
0x25: {  	_ = 	snop;
	(pc) =	sbr.rel @p1 .LBB2_7-.Ltmp2, $1  }
0x26: {  	_ =	sdelay $0x3  }
0x27: {  	s14 =	simm.s32 $0x1  }
0x28: {  	s14 =	simm.s32 @!p0 $0x0  }
0x29: {  	s15 =	smul.u32 $0x140, s14  }
0x2a: {  	_ =	swait.ge [sflag:s7], $0x50  }
0x2b: {  	[sflag:s7] =	ssyncset.done $0x0;
	s16 =	sshrl.u32 s15, $0x2  }
0x2c: {  	[sflag:s7] =	ssyncadd.s32 $0xFFFFFFB0;
	s15 =	sadd.s32 $0x0, s16  }
0x2d: {  	v0 =	vld.msk [tilespmem:s15+$0x0 ss:$0x1], $0xffff;
	_ =	sdelay $0x4  }
0x2e: {  	vm2 =	vgt.s32 v0, $0x0  }
0x2f: {  	v0 =	vnsel vm2, $0x0, v0  }
0x30: {  	v0 =	vmin.u32 v0, $0x3FFFF  }
0x31: {  	v0 =	vshll.u32 v0, $0x4  }
0x32: {  	s14 =	smul.u32 $0xA000, s14;
	_ =	sdelay $0x1  }
0x33: {  	s14 =	sshrl.u32 s14, $0x2  }
0x34: {  	s14 =	sor.u32 $0xA0, s14  }
0x35: {  	[tilespmem:s14], [sflag:$0x1] =	stream.indirect_vreg.gather [hbm:s4], $0x80, v0, vm0, $0x38;
	[tilespmem:$0x50A0] =	vst v63  }
0x36: {  	s17 =	sadd.s32 $0x10, s16;
	s15 =	sadd.s32 $0x400, s14  }
0x37: {  	[tilespmem:s15], [sflag:$0x1] =	stream.indirect_vreg.gather [hbm:s4], $0x80, v0, vm1, $0x38;
	[tilespmem:$0x50A0] =	vst v63  }
0x38: {  	s18 =	simm.s32 $0x80;
	v0 =	vld.msk [tilespmem:s17+$0x0 ss:$0x1], $0xffff;
	s17 =	smov.u32 s14  }
.LBB2_3:
0x39: {  	p1 =	sne.s32 s18, $0x100;
	_ =	sdelay $0x4  }
0x3a: {  	vm2 =	vgt.s32 v0, $0x0  }
0x3b: {  	v0 =	vnsel vm2, $0x0, v0  }
0x3c: {  	v0 =	vmin.u32 v0, $0x3FFFF  }
0x3d: {  	v0 =	vshll.u32 v0, $0x4;
	_ =	sdelay $0x3  }
.Ltmp3:
0x3e: {  	s19 =	sshra.s32 s18, $0x2;
	s17 =	sadd.s32 $0x800, s17;
	(pc) =	sbr.rel @p1 .LBB2_3-.Ltmp3, $4  }
0x3f: {  	[tilespmem:s17], [sflag:$0x1] =	stream.indirect_vreg.gather [hbm:s4], $0x80, v0, vm0, $0x38;
	[tilespmem:$0x50A0] =	vst v63  }
0x40: {  	s19 =	sadd.s32 s19, s16;
	s20 =	sadd.s32 $0x400, s17  }
0x41: {  	[tilespmem:s20], [sflag:$0x1] =	stream.indirect_vreg.gather [hbm:s4], $0x80, v0, vm1, $0x38;
	[tilespmem:$0x50A0] =	vst v63  }
0x42: {  	s18 =	sadd.s32 $0x40, s18;
	v0 =	vld.msk [tilespmem:s19+$0x0 ss:$0x1], $0xffff  }
0x43: {  	_ =	sdelay $0x3  }
0x44: {  	vm2 =	vgt.s32 v0, $0x0  }
0x45: {  	v0 =	vnsel vm2, $0x0, v0  }
0x46: {  	v0 =	vmin.u32 v0, $0x3FFFF  }
0x47: {  	v0 =	vshll.u32 v0, $0x4;
	_ =	sdelay $0x3  }
0x48: {  	s16 =	sadd.s32 $0x800, s17  }
0x49: {  	[tilespmem:s16], [sflag:$0x1] =	stream.indirect_vreg.gather [hbm:s4], $0x80, v0, vm0, $0x38;
	[tilespmem:$0x50A0] =	vst v63  }
0x4a: {  	s16 =	sadd.s32 $0x400, s16  }
0x4b: {  	[tilespmem:s16], [sflag:$0x1] =	stream.indirect_vreg.gather [hbm:s4], $0x80, v0, vm1, $0x38;
	[tilespmem:$0x50A0] =	vst v63  }
0x4c: {  	s13 =	sshll.u32 s13, $0x4;
	_ =	swait.ge [sflag:s6], $0x2800  }
0x4d: {  	s13 =	sadd.s32 s13, s9;
	[sflag:s6] =	ssyncset.done $0x0  }
0x4e: {  	s17 =	sadd.s32 $0x0, s13;
	s16 =	simm.s32 $0x80;
	[sflag:s6] =	ssyncadd.s32 $0xFFFFD800  }
.LBB2_5:
0x4f: {  	[hbm:s17] =	stream.linear.scatter [tilespmem:s14], [sflag:$0x3], $0x400, $0x38;
	[tilespmem:$0x50A0] =	vst v63  }
0x50: {  	s17 =	smov.u32 s16;
	s14 =	smov.u32 s15;
	p1 =	sne.s32 s16, $0x480  }
.Ltmp4:
0x51: {  	s16 =	sadd.s32 $0x80, s16;
	(pc) =	sbr.rel @p1 .LBB2_5-.Ltmp4, $2  }
0x52: {  	_ =	sdelay $0x2  }
0x53: {  	s15 =	sadd.s32 $0x400, s15;
	s17 =	sadd.s32 s17, s13  }
.Ltmp5:
0x54: {  	_ = 	snop;
	(pc) =	sbr.rel .LBB2_6-.Ltmp5, $1  }
0x55: {  	_ =	sdelay $0x3  }
.LBB2_8:
0x56: {  	_ =	sfence.sel $0x180000  }
0x57: {  	s1 =	simm.s32 $0x2;
	[bflag:$0x0] =	sbarrier.arrive $0xFFFF  }
0x58: {  	s30 =	simm.s32 $0x3;
	[sflag:s1] =	ssyncpa.u1 $0x1  }
0x59: {  	s31 =	simm.s32 $0x1;
	[sflag:s30] =	ssyncpa.u1 $0x1  }
0x5a: {  	[sflag:s31] =	ssyncpa.u1 $0x1  }
0x5b: {  	p0 =	sne.s32 s0, $0x0;
	_ =	strace $0x90000056  }
0x5c: {  	s0 =	sadd.s32 @!p0 $0x100000, s2;
	[bflag:$0x2] =	sbarrier.arrive $0xFFFF  }
0x5d: {  	[sflag:s0] =	ssyncadd.tile.s32 @!p0 $0x1;
	_ =	shalt  }
.Lfunc_end2:
_tile_overlayer_lowered:
.L_overlay_start_2:
0x5e: {  	(tag) =	ssettag $0x2  }
0x5f: {  	s0 =	rddreg [dreg:$0x0];
	s2 =	stileid.u32  }
0x60: {  	s1 =	rddreg [dreg:$0x1];
	p0 =	sne.s32 s2, $0x0  }
0x61: {  	s3 =	rddreg [dreg:$0x2];
	[bflag:$0x3] =	sbarrier.arrive $0xFFFF;
	s2 =	simm.s32 @!p0 $0x1C01  }
0x62: {  	[timem:s3], [sflag:s2] =	dma.local @!p0 [hbm:s0], s1  }
0x63: {  	s0 =	simm.s32 @!p0 $0x1  }
0x64: {  	_ =	swait.ge @!p0 [sflag:s0], s1  }
0x65: {  	s1 =	ssub.s32 @!p0 $0x0, s1;
	[sflag:s0] =	ssyncset.done @!p0 $0x0  }
0x66: {  	[sflag:s0] =	ssyncadd.s32 @!p0 s1  }
0x67: {  	[bflag:$0x3] =	sbarrier.arrive $0xFFFF  }
0x68: {  	_ =	shalt  }

// kernel: gather_offload_async_start
scs
__scs_entry_jumppad:
0x0: {  	(pc) =	sbr.rel $0x88, $3  }
0x1: {  	(tag) =	ssettag $0x0;
	lr =	simm.s32 $0x1  }
0x2: {  	[smem:$0x3F98] =	sst lr;
	_ =	strace $0xD0000000  }
0x3: {  	_ = 	snop  }
0x4: {  	_ = 	snop  }
0x5: {  	_ = 	snop  }
0x6: {  	_ = 	snop  }
0x7: {  	_ = 	snop  }
__scs_overlays_trampoline_lowered:
0x8: {  	[smem:$0x3FA7] =	sst s0  }
0x9: {  	[smem:$0x3FA8] =	sst s1  }
0xa: {  	[smem:$0x3FA9] =	sst s2  }
0xb: {  	[smem:$0x3FAA] =	sst s3  }
0xc: {  	[smem:$0x3FAB] =	sst s4  }
0xd: {  	[smem:$0x3FAC] =	sst s5  }
0xe: {  	[smem:$0x3FAD] =	sst s6  }
0xf: {  	[smem:$0x3FAE] =	sst s7  }
0x10: {  	[smem:$0x3FAF] =	sst s8  }
0x11: {  	[smem:$0x3FB0] =	sst s9;
	s0 =	simm.s32 @!p0 $0x0  }
0x12: {  	s1 =	sld [smem:$0x3F96];
	s0 =	simm.s32 @p0 $0x1  }
0x13: {  	[smem:$0x3FB1] =	sst s0;
	s0 =	simm.s32 @!p1 $0x0  }
0x14: {  	s2 =	sld [smem:$0x3F95];
	s0 =	simm.s32 @p1 $0x1  }
0x15: {  	[smem:$0x3FB2] =	sst s0;
	s0 =	simm.s32 @!p2 $0x0  }
0x16: {  	s3 =	sld [smem:$0x3FDB];
	s0 =	simm.s32 @p2 $0x1  }
0x17: {  	s4 =	simm.s32 $0x1BF5;
	[smem:$0x3FB4] =	sst s0  }
0x18: {  	s0 =	sld [smem:$0x3F97];
	_ =	swait.ge [sflag:s4], $0x0  }
0x19: {  	s7 =	sld [smem:$0x3F98]  }
0x1a: {  	s8 =	sadd.s32 $0xFFFFE003, lr  }
0x1b: {  	s9 =	sadd.s32 $0xFFFFFEF7, lr;
	s5 =	simm.s32 $0xFFFFFFFF;
	p2 =	slt.u32 s8, $0xFFFFF086  }
0x1c: {  	p1 =	slt.u32 s9, $0xF7A;
	s5 =	simm.s32 @!p2 $0x0  }
0x1d: {  	s5 =	simm.s32 @p1 $0x1;
	p0 =	seq.s32 s7, s2  }
0x1e: {  	s7 =	smul.u32 @!p0 $0xF7A, s2;
	p2 =	seq.s32 @!p0 s5, $0x0  }
0x1f: {  	s9 =	smul.u32 $0xF7A, s1;
	s8 =	simm.s32 @!p0 $0x1BF5;
	p2 =	por !p2, p0  }
0x20: {  	[sflag:s8] =	ssyncset.s32 @!p0 $0xFFFFF086;
	s6 =	sadd.s32 @!p0 s3, s7;
	s7 =	simm.s32 @!p0 $0x108  }
0x21: {  	s3 =	sadd.s32 s3, s9;
	s6 =	sadd.s32 @!p0 $0x88, s6;
	s7 =	simm.s32 @p2 $0x1082  }
0x22: {  	[simem:s7], [sflag:s8] =	dma.local @!p0 [hbm:s6], $0xF7A  }
0x23: {  	s9 =	sor.u32 $0xD0000000, s2;
	s6 =	simm.s32 $0x108;
	_ =	swait.ge @!p0 [sflag:s8], $0x0  }
0x24: {  	s3 =	sadd.s32 $0x88, s3;
	s6 =	simm.s32 @!p1 $0x1082;
	[sflag:s4] =	ssyncset.s32 $0xFFFFF086  }
0x25: {  	[simem:s6], [sflag:s4] =	dma.local [hbm:s3], $0xF7A  }
0x26: {  	[smem:$0x3F98] =	sst s1;
	(tag) =	ssettag s2;
	_ =	strace s9  }
0x27: {  	s1 =	sld [smem:$0x3FA8]  }
0x28: {  	s2 =	sld [smem:$0x3FA9]  }
0x29: {  	s4 =	sld [smem:$0x3FAB]  }
0x2a: {  	p0 =	seq.s32 s5, $0x0;
	s5 =	sld [smem:$0x3FAC]  }
0x2b: {  	s6 =	sld [smem:$0x3FAD]  }
0x2c: {  	s7 =	sld [smem:$0x3FAE]  }
0x2d: {  	s3 =	simm.s32 $0x108;
	s8 =	sld [smem:$0x3FAF]  }
0x2e: {  	s3 =	simm.s32 @!p0 $0x1082;
	s9 =	sld [smem:$0x3FB0]  }
0x2f: {  	lr =	sadd.s32 s0, s3;
	s0 =	sld [smem:$0x3FA7]  }
0x30: {  	s3 =	sld [smem:$0x3FAA]  }
0x31: {  	[smem:$0x3FB3] =	sst s10  }
0x32: {  	s10 =	sld [smem:$0x3FB1];
	_ =	sdelay $0x3  }
0x33: {  	p0 =	seq.s32 s10, $0x1;
	s10 =	sld [smem:$0x3FB3];
	_ =	sdelay $0x3  }
0x34: {  	[smem:$0x3FB3] =	sst s10  }
0x35: {  	s10 =	sld [smem:$0x3FB2];
	_ =	sdelay $0x3  }
0x36: {  	p1 =	seq.s32 s10, $0x1;
	s10 =	sld [smem:$0x3FB3];
	_ =	sdelay $0x3  }
0x37: {  	[smem:$0x3FB3] =	sst s10  }
0x38: {  	s10 =	sld [smem:$0x3FB4]  }
0x39: {  	_ = 	snop;
	(pc) =	sbr.ind lr, $3  }
0x3a: {  	_ = 	snop  }
0x3b: {  	_ = 	snop  }
0x3c: {  	p2 =	seq.s32 s10, $0x1;
	s10 =	sld [smem:$0x3FB3]  }
0x3d: {  	_ =	shalt  }
0x3e: {  	_ =	shalt  }
0x3f: {  	_ =	shalt  }
0x40: {  	_ =	shalt  }
0x41: {  	_ =	shalt  }
0x42: {  	_ =	shalt  }
0x43: {  	_ =	shalt  }
0x44: {  	_ =	shalt  }
0x45: {  	_ =	shalt  }
0x46: {  	_ =	shalt  }
0x47: {  	_ =	shalt  }
0x48: {  	_ =	shalt  }
0x49: {  	_ =	shalt  }
0x4a: {  	_ =	shalt  }
0x4b: {  	_ =	shalt  }
0x4c: {  	_ =	shalt  }
0x4d: {  	_ =	shalt  }
0x4e: {  	_ =	shalt  }
0x4f: {  	_ =	shalt  }
0x50: {  	_ =	shalt  }
0x51: {  	_ =	shalt  }
0x52: {  	_ =	shalt  }
0x53: {  	_ =	shalt  }
0x54: {  	_ =	shalt  }
0x55: {  	_ =	shalt  }
0x56: {  	_ =	shalt  }
0x57: {  	_ =	shalt  }
0x58: {  	_ =	shalt  }
0x59: {  	_ =	shalt  }
0x5a: {  	_ =	shalt  }
0x5b: {  	_ =	shalt  }
0x5c: {  	_ =	shalt  }
0x5d: {  	_ =	shalt  }
0x5e: {  	_ =	shalt  }
0x5f: {  	_ =	shalt  }
0x60: {  	_ =	shalt  }
0x61: {  	_ =	shalt  }
0x62: {  	_ =	shalt  }
0x63: {  	_ =	shalt  }
0x64: {  	_ =	shalt  }
0x65: {  	_ =	shalt  }
0x66: {  	_ =	shalt  }
0x67: {  	_ =	shalt  }
0x68: {  	_ =	shalt  }
0x69: {  	_ =	shalt  }
0x6a: {  	_ =	shalt  }
0x6b: {  	_ =	shalt  }
0x6c: {  	_ =	shalt  }
0x6d: {  	_ =	shalt  }
0x6e: {  	_ =	shalt  }
0x6f: {  	_ =	shalt  }
0x70: {  	_ =	shalt  }
0x71: {  	_ =	shalt  }
0x72: {  	_ =	shalt  }
0x73: {  	_ =	shalt  }
0x74: {  	_ =	shalt  }
0x75: {  	_ =	shalt  }
0x76: {  	_ =	shalt  }
0x77: {  	_ =	shalt  }
0x78: {  	_ =	shalt  }
0x79: {  	_ =	shalt  }
0x7a: {  	_ =	shalt  }
0x7b: {  	_ =	shalt  }
0x7c: {  	_ =	shalt  }
0x7d: {  	_ =	shalt  }
0x7e: {  	_ =	shalt  }
0x7f: {  	_ =	shalt  }
0x80: {  	_ =	shalt  }
0x81: {  	_ =	shalt  }
0x82: {  	_ =	shalt  }
0x83: {  	_ =	shalt  }
0x84: {  	_ =	shalt  }
0x85: {  	_ =	shalt  }
0x86: {  	_ =	shalt  }
0x87: {  	_ =	shalt  }
.Lfunc_end0:
.L_simem_size_0:
called_computation.2_lowered:
.L_overlay_start_0:
0x88: {  	s2 =	sld [smem:$0x3FD9]  }
0x89: {  	s3 =	sld [smem:$0x3FFE];
	_ =	sdelay $0x1  }
0x8a: {  	s1 =	srdreg.scid  }
0x8b: {  	s0 =	sand.u32 $0x1, s1  }
0x8c: {  	s16 =	sshll.u32 s0, $0xA;
	s2 =	sadd.s32 s3, s2  }
0x8d: {  	s2 =	sadd.s32 s2, s16  }
0x8e: {  	[smem:$0x3FBF] =	sst s2  }
0x8f: {  	_ = 	snop  }
0x90: {  	(tm) =	ssettm $0x1  }
0x91: {  	s17 =	sld [smem:$0x3FFB];
	_ =	sdelay $0x3  }
0x92: {  	_ =	strace s17  }
0x93: {  	s2 =	sld [smem:$0x3FFC];
	_ =	sdelay $0x3  }
0x94: {  	_ =	strace s2  }
0x95: {  	s2 =	sld [smem:$0x3FFD];
	_ =	sdelay $0x3  }
0x96: {  	_ =	strace s2  }
0x97: {  	_ =	strace $0x8FFFFFFF  }
0x98: {  	s18 =	sld [smem:$0x3FDB];
	_ =	sdelay $0x1  }
0x99: {  	s19 =	simm.s32 $_scs_section_size  }
0x9a: {  	s4 =	simm.s32 $_size__tile_overlayer_lowered;
	s5 =	simm.s32 $_tile_overlayer_lowered  }
0x9b: {  	s22 =	simm.s32 $0x1BFF;
	s21 =	sshll.u32 s5, $0x1;
	s2 =	sadd.s32 s19, s18  }
0x9c: {  	s6 =	simm.s32 $0x0;
	s20 =	sshll.u32 s4, $0x1;
	s4 =	sadd.s32 s21, s2  }
0x9d: {  	[timem:s6], [sflag:s22] =	dma.local [hbm:s4], s20  }
0x9e: {  	_ =	swait.ge [sflag:s22], s20  }
0x9f: {  	s3 =	ssub.s32 $0x0, s20;
	[sflag:s22] =	ssyncset.done $0x0  }
0xa0: {  	[sflag:s22] =	ssyncadd.s32 s3;
	_ =	sdelay $0x1  }
0xa1: {  	s23 =	simm.s32 $0x1B8B  }
0xa2: {  	_ =	swait.ge [sflag:s23], $0x1  }
0xa3: {  	[sflag:s23] =	ssyncset.done $0x0  }
0xa4: {  	s25 =	simm.s32 $0x1B8E;
	s24 =	sld [smem:$0x3FFE];
	[sflag:s23] =	ssyncadd.s32 $0xFFFFFFFF  }
0xa5: {  	s26 =	simm.s32 $execute0_lowered;
	[smem:$0x3FD2] =	sst s25  }
0xa6: {  	s4 =	sshll.u32 s26, $0x1;
	_ =	strace $0x80000046;
	[dreg:$0x1] =	wrdreg $0xFFFFFFFF  }
0xa7: {  	s28 =	simm.s32 $_size_execute0_lowered;
	s2 =	sadd.s32 s2, s4;
	[dreg:$0x0] =	wrdreg $0x0  }
0xa8: {  	s4 =	sshll.u32 s28, $0x1;
	[dreg:$0x2] =	wrdreg s2  }
0xa9: {  	[dreg:$0x3] =	wrdreg s4  }
0xaa: {  	[dreg:$0x4] =	wrdreg $0xC0  }
0xab: {  	_ =	task [dreg:s6], $0x5FFFF  }
0xac: {  	[dreg:$0x1] =	wrdreg $0xFFFFFFFF  }
0xad: {  	[dreg:$0x0] =	wrdreg $0x60  }
0xae: {  	[dreg:$0x2] =	wrdreg s24  }
0xaf: {  	[dreg:$0x3] =	wrdreg $0x9  }
0xb0: {  	_ =	task.clear_ibuf [dreg:s6], $0x4FFFF;
	_ =	strace $0x90000046  }
0xb1: {  	s29 =	simm.s32 $0x9;
	_ =	strace $0x80000048  }
0xb2: {  	_ =	swait.ge [sflag:s29], $0x1  }
0xb3: {  	[sflag:s29] =	ssyncadd.s32 $0xFFFFFFFF  }
0xb4: {  	_ =	strace $0x90000048  }
0xb5: {  	_ =	sfence  }
0xb6: {  	s30 =	sld [smem:$0x0];
	_ =	sdelay $0x2  }
0xb7: {  	s31 =	sshll.u32 s1, $0xD;
	s1 =	sshrl.u32 s1, $0x2  }
0xb8: {  	s3 =	sand.u32 $0x4000, s31;
	s1 =	sadd.s32 s1, s30  }
0xb9: {  	s0 =	sor.u32 s3, s0;
	s1 =	sshll.u32 s1, $0x11  }
0xba: {  	s0 =	sor.u32 s1, s0  }
0xbb: {  	s0 =	sadd.s32 $0x8F2B, s0  }
0xbc: {  	[sflag:s0] =	ssyncadd.remote.s32 $0x1  }
0xbd: {  	_ =	sfence.sel $0xFFFF  }
0xbe: {  	[dreg:$0x0] =	wrdreg $0xFFFFFFFF;
	(pc) =	sbr.abs _section_cstart, $3  }
0xbf: {  	[dreg:$0x1] =	wrdreg $0xFFFFFFFF  }
0xc0: {  	_ =	task.clear_ibuf [dreg:s6], $0x2FFFF;
	_ =	strace $0x9FFFFFFF  }
0xc1: {  	(tm) =	ssettm $0x7FFFFFFF  }
tec
execute0_lowered:
.L_overlay_start_1:
0x0: {  	(tag) =	ssettag $0x1  }
0x1: {  	s8 =	rddreg [dreg:$0x0]  }
0x2: {  	s0 =	rddreg [dreg:$0x1];
	_ =	strace $0x80000047;
	s1 =	stileid.u32  }
0x3: {  	s3 =	srdreg.scid;
	s4 =	simm.s32 $0x1;
	s7 =	simm.s32 $0x1  }
0x4: {  	s9 =	simm.s32 $0x1;
	s10 =	simm.s32 $0x3;
	s13 =	simm.s32 $0x0  }
0x5: {  	s12 =	simm.s32 $0x0;
	s5 =	sand.u32 $0x1, s3;
	s6 =	sshll.u32 s1, $0x1  }
0x6: {  	s2 =	sadd.s32 $0x401800, s8;
	s3 =	sadd.s32 $0xC00, s8;
	s5 =	sor.u32 s6, s5  }
.Ltmp0:
0x7: {  	[sflag:s4] =	ssyncpa.u1 $0x0;
	p0 =	slt.u32 s5, $0x13;
	(pc) =	sbr.rel .LBB2_1-.Ltmp0, $4  }
0x8: {  	s6 =	simm.s32 $0x2;
	s7 =	simm.s32 @!p0 $0x0;
	p0 =	sne.s32 s5, $0x12  }
0x9: {  	[sflag:s6] =	ssyncpa.u1 $0x0;
	s5 =	smul.u32 $0xF0, s5;
	s9 =	simm.s32 @!p0 $0x0  }
0xa: {  	s8 =	sadd.s32 $0x409800, s8;
	[sflag:s10] =	ssyncpa.u1 $0x0;
	s7 =	sadd.s32 s9, s7  }
0xb: {  	vm0 =	vmmov $0xffff;
	s10 =	simm.s32 $0x0;
	s11 =	smov.u32 s5;
	s9 =	sadd.s32 $0x1, s7  }
.LBB2_4:
0xc: {  	v2 =	vnsel vm1, $0x0, v2  }
0xd: {  	vm1 =	vgt.s32 v0, $0x0;
	v2 =	vmin.u32 v2, $0x3FFFF  }
0xe: {  	v0 =	vnsel vm1, $0x0, v0  }
0xf: {  	v0 =	vmin.u32 v0, $0x3FFFF  }
0x10: {  	[tilespmem:s18], [sflag:$0x1] =	stream.indirect_vreg.gather [hbm4b:s2+s10], $0x1, v1, vm0, $0x4038;
	[tilespmem:$0x3C0] =	vst v63  }
0x11: {  	(ifvalue) =	ssetifvalue $0x7FFFFFFF  }
0x12: {  	[tilespmem:s15], [sflag:$0x1] =	stream.indirect_vreg.gather [hbm4b:s2+s10], $0x1, v2, vm0, $0x4038;
	[tilespmem:$0x3C0] =	vst v63  }
0x13: {  	s29 =	sadd.s32 $0x10, s15;
	(ifvalue) =	ssetifvalue $0x7FFFFFFF  }
0x14: {  	[tilespmem:s29], [sflag:$0x1] =	stream.indirect_vreg.gather [hbm4b:s2+s10], $0x1, v0, vm0, $0x4038;
	[tilespmem:$0x3C0] =	vst v63  }
0x15: {  	_ =	swait.ge [sflag:s4], $0xF0  }
0x16: {  	s30 =	sshrl.u32 s13, $0x3;
	[sflag:s4] =	ssyncset.done $0x0  }
0x17: {  	s31 =	sand.u32 $0x7, s13;
	s15 =	sadd.s32 s8, s30;
	[sflag:s4] =	ssyncadd.s32 $0xFFFFFF10  }
0x18: {  	[hbm4b:s15+s31] =	stream.linear.scatter [tilespmem:s14], [sflag:$0x3], $0xF0, $0x38;
	[tilespmem:$0x3C0] =	vst v63  }
.LBB2_5:
0x19: {  	s15 =	sadd.s32 $0x1E00, s11  }
0x1a: {  	p1 =	sgt.s32 s15, $0x2EDF  }
0x1b: {  	s15 =	smov.u32 @p1 s5;
	p1 =	sne.s32 s12, s9  }
.Ltmp1:
0x1c: {  	p0 =	slt.u32 s12, $0x2;
	(pc) =	sbr.rel @!p1 .LBB2_6-.Ltmp1, $4  }
0x1d: {  	s14 =	simm.s32 @!p0 $0x3  }
0x1e: {  	_ =	swait.ge @!p0 [sflag:s14], $0xF0  }
0x1f: {  	s16 =	sadd.s32 $0x1, s12;
	s13 =	smov.u32 s11;
	[sflag:s14] =	ssyncset.done @!p0 $0x0  }
0x20: {  	s12 =	smov.u32 s16;
	s11 =	smov.u32 s15;
	[sflag:s14] =	ssyncadd.s32 @!p0 $0xFFFFFF10  }
.LBB2_1:
0x21: {  	p0 =	sge.u32 s12, s7  }
0x22: {  	s14 =	sxor.u32 @!p0 $0x1, s12  }
0x23: {  	s14 =	smul.u32 @!p0 $0x3C0, s14  }
0x24: {  	s31 =	sadd.s32 $0xFFFFFFFF, s12;
	s15 =	sshrl.u32 @!p0 s11, $0x3  }
0x25: {  	s16 =	sand.u32 @!p0 $0x7, s11;
	s15 =	sadd.s32 @!p0 s3, s15;
	s14 =	sshra.s32 @!p0 s14, $0x2  }
0x26: {  	[tilespmem:s14], [sflag:$0x2] =	stream.linear.gather @!p0 [hbm4b:s15+s16], $0xF0, $0x38;
	[tilespmem:$0x3C0] =	vst v63  }
0x27: {  	p0 =	sge.u32 s31, s7  }
.Ltmp2:
0x28: {  	_ = 	snop;
	(pc) =	sbr.rel @p0 .LBB2_5-.Ltmp2, $1  }
0x29: {  	_ =	sdelay $0x3  }
0x2a: {  	s14 =	sand.u32 $0x1, s12  }
0x2b: {  	_ =	swait.ge [sflag:s6], $0xF0;
	p0 =	seq.s32 s14, $0x1;
	s14 =	simm.s32 $0xF0  }
0x2c: {  	[sflag:s6] =	ssyncset.done $0x0;
	s14 =	simm.s32 @!p0 $0x0  }
0x2d: {  	[sflag:s6] =	ssyncadd.s32 $0xFFFFFF10;
	(ifvalue) =	ssetifvalue $0x7FFFFFFF;
	v0 =	vld.msk [tilespmem:s14+$0x0 ss:$0x1], $0xffff;
	_ =	sdelay $0x4  }
0x2e: {  	s15 =	sadd.s32 $0x10, s14;
	vm1 =	vgt.s32 v0, $0x0  }
0x2f: {  	v2 =	vld.msk [tilespmem:s15+$0x0 ss:$0x1], $0xffff;
	v1 =	vnsel vm1, $0x0, v0  }
0x30: {  	v1 =	vmin.u32 v1, $0x3FFFF;
	_ =	sdelay $0x2  }
0x31: {  	s17 =	simm.s32 $0x20;
	s14 =	sadd.s32 $0x1E0, s14;
	s16 =	sadd.s32 $0x10, s15  }
0x32: {  	s15 =	sadd.s32 $0x10, s14;
	s18 =	smov.u32 s14;
	v0 =	vld.msk [tilespmem:s16+$0x0 ss:$0x1], $0xffff;
	vm1 =	vgt.s32 v2, $0x0;
	(ifvalue) =	ssetifvalue $0x7FFFFFFF  }
.LBB2_3:
0x33: {  	[tilespmem:s18], [sflag:$0x1] =	stream.indirect_vreg.gather [hbm4b:s2+s10], $0x1, v1, vm0, $0x4038;
	[tilespmem:$0x3C0] =	vst v63  }
0x34: {  	s17 =	sadd.s32 $0x10, s17  }
0x35: {  	v2 =	vnsel vm1, $0x0, v2;
	p0 =	slt.u32 s17, $0xE0  }
.Ltmp3:
0x36: {  	s18 =	smov.u32 s15;
	v1 =	vmin.u32 v2, $0x3FFFF;
	(pc) =	sbr.rel @p0 .LBB2_3-.Ltmp3, $3  }
0x37: {  	_ =	sdelay $0x1  }
0x38: {  	s16 =	sadd.s32 $0x10, s16  }
0x39: {  	vm1 =	vgt.s32 v0, $0x0;
	s15 =	sadd.s32 $0x10, s15;
	v2 =	vmov v0;
	(ifvalue) =	ssetifvalue $0x7FFFFFFF;
	v0 =	vld.msk [tilespmem:s16+$0x0 ss:$0x1], $0xffff  }
.Ltmp4:
0x3a: {  	_ = 	snop;
	(pc) =	sbr.rel .LBB2_4-.Ltmp4, $1  }
0x3b: {  	_ =	sdelay $0x3  }
.LBB2_6:
0x3c: {  	_ =	sfence.sel $0x180000  }
0x3d: {  	s2 =	simm.s32 $0x2;
	[bflag:$0x0] =	sbarrier.arrive $0xFFFF  }
0x3e: {  	s30 =	simm.s32 $0x3;
	[sflag:s2] =	ssyncpa.u1 $0x1  }
0x3f: {  	s31 =	simm.s32 $0x1;
	[sflag:s30] =	ssyncpa.u1 $0x1  }
0x40: {  	[sflag:s31] =	ssyncpa.u1 $0x1  }
0x41: {  	p0 =	sne.s32 s1, $0x0;
	_ =	strace $0x90000047  }
0x42: {  	s0 =	sadd.s32 @!p0 $0x100000, s0;
	[bflag:$0x2] =	sbarrier.arrive $0xFFFF  }
0x43: {  	[sflag:s0] =	ssyncadd.tile.s32 @!p0 $0x1;
	_ =	shalt  }
.Lfunc_end2:
_tile_overlayer_lowered:
.L_overlay_start_2:
0x44: {  	(tag) =	ssettag $0x2  }
0x45: {  	s0 =	rddreg [dreg:$0x0];
	s2 =	stileid.u32  }
0x46: {  	s1 =	rddreg [dreg:$0x1];
	p0 =	sne.s32 s2, $0x0  }
0x47: {  	s3 =	rddreg [dreg:$0x2];
	[bflag:$0x3] =	sbarrier.arrive $0xFFFF;
	s2 =	simm.s32 @!p0 $0x1C01  }
0x48: {  	[timem:s3], [sflag:s2] =	dma.local @!p0 [hbm:s0], s1  }
0x49: {  	s0 =	simm.s32 @!p0 $0x1  }
0x4a: {  	_ =	swait.ge @!p0 [sflag:s0], s1  }
0x4b: {  	s1 =	ssub.s32 @!p0 $0x0, s1;
	[sflag:s0] =	ssyncset.done @!p0 $0x0  }
0x4c: {  	[sflag:s0] =	ssyncadd.s32 @!p0 s1  }
0x4d: {  	[bflag:$0x3] =	sbarrier.arrive $0xFFFF  }
0x4e: {  	_ =	shalt  }

// kernel: sparse-core-data-format-call.1.cloned.1.call-start
scs
called_computation.1_lowered:
.L_overlay_start_0:
0x0: {  	s2 =	sld [smem:$0x3FD9]  }
0x1: {  	s3 =	sld [smem:$0x3FFE];
	_ =	sdelay $0x1  }
0x2: {  	s1 =	srdreg.scid  }
0x3: {  	s0 =	sand.u32 $0x1, s1  }
0x4: {  	s16 =	sshll.u32 s0, $0xA;
	s2 =	sadd.s32 s3, s2  }
0x5: {  	s2 =	sadd.s32 s2, s16  }
0x6: {  	[smem:$0x3FBF] =	sst s2  }
0x7: {  	_ = 	snop  }
0x8: {  	s2 =	sld [smem:$0x3FD0];
	_ =	sdelay $0x2  }
0x9: {  	s17 =	simm.s32 $0xD;
	s4 =	simm.s32 $0x10  }
0xa: {  	[smem:s4], [sflag:s17] =	dma.local [hbm:s2], $0x1  }
0xb: {  	_ =	swait.eq [sflag:s17], $0x1  }
0xc: {  	[sflag:s17] =	ssyncset.done $0x0  }
0xd: {  	[sflag:s17] =	ssyncadd.s32 $0xFFFFFFFF  }
0xe: {  	s18 =	sld [smem:$0x10];
	(tm) =	ssettm $0x1  }
0xf: {  	s19 =	sld [smem:$0x3FFB];
	_ =	sdelay $0x3  }
0x10: {  	_ =	strace s19  }
0x11: {  	s2 =	sld [smem:$0x3FFC];
	_ =	sdelay $0x3  }
0x12: {  	_ =	strace s2  }
0x13: {  	s2 =	sld [smem:$0x3FFD];
	_ =	sdelay $0x3  }
0x14: {  	_ =	strace s2  }
0x15: {  	_ =	strace $0x8FFFFFFF  }
0x16: {  	s20 =	sld [smem:$0x3FDB];
	_ =	sdelay $0x1  }
0x17: {  	s21 =	simm.s32 $_scs_section_size  }
0x18: {  	s5 =	simm.s32 $_size__tile_overlayer_lowered;
	s6 =	simm.s32 $_tile_overlayer_lowered  }
0x19: {  	s7 =	simm.s32 $0x1BFF;
	s22 =	sshll.u32 s6, $0x1;
	s4 =	sadd.s32 s21, s20  }
0x1a: {  	s23 =	simm.s32 $0x0;
	s5 =	sshll.u32 s5, $0x1;
	s6 =	sadd.s32 s22, s4  }
0x1b: {  	[timem:s23], [sflag:s7] =	dma.local [hbm:s6], s5  }
0x1c: {  	_ =	swait.ge [sflag:s7], s5  }
0x1d: {  	s5 =	ssub.s32 $0x0, s5;
	[sflag:s7] =	ssyncset.done $0x0  }
0x1e: {  	[sflag:s7] =	ssyncadd.s32 s5;
	_ =	sdelay $0x1  }
0x1f: {  	s24 =	simm.s32 $0x1B8B  }
0x20: {  	_ =	swait.ge [sflag:s24], $0x1  }
0x21: {  	[sflag:s24] =	ssyncset.done $0x0  }
0x22: {  	[sflag:s24] =	ssyncadd.s32 $0xFFFFFFFF  }
0x23: {  	s5 =	sld [smem:$0x0]  }
0x24: {  	s6 =	sand.u32 $0xFFFFFFFE, s1  }
0x25: {  	p0 =	sne.s32 s1, s6  }
0x26: {  	s6 =	sshll.u32 @p0 s6, $0xE  }
0x27: {  	s6 =	sadd.s32 @p0 $0x11B8D, s6;
	s7 =	sshll.u32 @p0 s5, $0x11  }
0x28: {  	s6 =	sor.u32 @p0 s7, s6  }
0x29: {  	[sflag:s6] =	ssyncadd.remote.s32 @p0 $0x1;
	_ =	sdelay $0x1  }
0x2a: {  	s6 =	simm.s32 @p0 $0x1B8D  }
0x2b: {  	_ =	swait.eq @p0 [sflag:s6], $0x1  }
0x2c: {  	[sflag:s6] =	ssyncadd.s32 @p0 $0xFFFFFFFF  }
0x2d: {  	s7 =	sshll.u32 @!p0 s1, $0xE  }
0x2e: {  	s7 =	sor.u32 @!p0 $0x4000, s7;
	s6 =	simm.s32 @!p0 $0x1B8D  }
0x2f: {  	s5 =	sshll.u32 @!p0 s5, $0x11;
	s7 =	sadd.s32 @!p0 $0x11B8D, s7;
	_ =	swait.eq @!p0 [sflag:s6], $0x1  }
0x30: {  	s5 =	sor.u32 @!p0 s5, s7;
	[sflag:s6] =	ssyncadd.s32 @!p0 $0xFFFFFFFF  }
0x31: {  	s26 =	simm.s32 $0x1B8E;
	s25 =	sld [smem:$0x3FFE];
	[sflag:s5] =	ssyncadd.remote.s32 @!p0 $0x1  }
0x32: {  	s27 =	simm.s32 $execute0_lowered;
	[smem:$0x3FD2] =	sst s26  }
0x33: {  	s6 =	sshll.u32 s27, $0x1;
	_ =	strace $0x80000061;
	[dreg:$0x1] =	wrdreg $0xFFFFFFFF  }
0x34: {  	s28 =	simm.s32 $_size_execute0_lowered;
	s4 =	sadd.s32 s4, s6;
	[dreg:$0x0] =	wrdreg $0x0  }
0x35: {  	s6 =	sshll.u32 s28, $0x1;
	[dreg:$0x2] =	wrdreg s4  }
0x36: {  	[dreg:$0x3] =	wrdreg s6  }
0x37: {  	[dreg:$0x4] =	wrdreg $0xC0  }
0x38: {  	_ =	task [dreg:s23], $0x5FFFF  }
0x39: {  	[dreg:$0x1] =	wrdreg $0xFFFFFFFF  }
0x3a: {  	[dreg:$0x0] =	wrdreg $0x60  }
0x3b: {  	[dreg:$0x2] =	wrdreg s18  }
0x3c: {  	[dreg:$0x3] =	wrdreg s25  }
0x3d: {  	[dreg:$0x4] =	wrdreg $0xC  }
0x3e: {  	_ =	task.clear_ibuf [dreg:s23], $0x5FFFF;
	_ =	strace $0x90000061  }
0x3f: {  	s29 =	simm.s32 $0xC;
	_ =	strace $0x80000063  }
0x40: {  	_ =	swait.ge [sflag:s29], $0x1  }
0x41: {  	[sflag:s29] =	ssyncadd.s32 $0xFFFFFFFF  }
0x42: {  	_ =	strace $0x90000063  }
0x43: {  	_ =	sfence  }
0x44: {  	s30 =	sld [smem:$0x0];
	_ =	sdelay $0x2  }
0x45: {  	s31 =	sshll.u32 s1, $0xD;
	s1 =	sshrl.u32 s1, $0x2  }
0x46: {  	s4 =	sand.u32 $0x4000, s31;
	s1 =	sadd.s32 s1, s30  }
0x47: {  	s0 =	sor.u32 s4, s0;
	s1 =	sshll.u32 s1, $0x11  }
0x48: {  	s0 =	sor.u32 s1, s0  }
0x49: {  	s0 =	sadd.s32 $0x8F2B, s0  }
0x4a: {  	[sflag:s0] =	ssyncadd.remote.s32 $0x1  }
0x4b: {  	_ =	sfence.sel $0xFFFF  }
0x4c: {  	[dreg:$0x0] =	wrdreg $0xFFFFFFFF;
	(pc) =	sbr.abs _section_cstart, $3  }
0x4d: {  	[dreg:$0x1] =	wrdreg $0xFFFFFFFF  }
0x4e: {  	_ =	task.clear_ibuf [dreg:s23], $0x2FFFF;
	_ =	strace $0x9FFFFFFF  }
0x4f: {  	(tm) =	ssettm $0x7FFFFFFF  }
tec
execute0_lowered:
.L_overlay_start_1:
0x0: {  	(tag) =	ssettag $0x1  }
0x1: {  	s0 =	srdreg.scid  }
0x2: {  	s3 =	rddreg [dreg:$0x0];
	s1 =	sshll.u32 s0, $0x4  }
0x3: {  	s5 =	rddreg [dreg:$0x1];
	s0 =	stileid.u32;
	s1 =	sand.u32 $0x10, s1  }
0x4: {  	s31 =	simm.s32 $0x2;
	s13 =	simm.s32 $0x0;
	s1 =	sor.u32 s0, s1  }
0x5: {  	s9 =	simm.s32 $0x40000;
	s14 =	simm.s32 $0x0;
	s2 =	sshll.u32 s1, $0x1  }
0x6: {  	s10 =	simm.s32 $0x0;
	s1 =	rddreg [dreg:$0x2];
	s4 =	ssub.s32 $0x200, s2  }
0x7: {  	_ =	strace $0x80000062;
	s6 =	sand.u32 $0x3E, s4;
	s7 =	sshrl.u32 s4, $0x6  }
.Ltmp0:
0x8: {  	p0 =	sne.s32 s6, $0x0;
	s6 =	simm.s32 $0x1;
	(pc) =	sbr.rel .LBB1_1-.Ltmp0, $4  }
0x9: {  	s4 =	sadd.s32 $0x67F400, s5;
	s5 =	simm.s32 $0x1;
	s6 =	simm.s32 @!p0 $0x0  }
0xa: {  	s12 =	simm.s32 $0x0;
	[sflag:s5] =	ssyncpa.u1 $0x0;
	s6 =	sadd.s32 s6, s7  }
0xb: {  	s11 =	smov.u32 s2;
	[sflag:s31] =	ssyncpa.u1 $0x0;
	s6 =	sshll.u32 s6, $0x2  }
0xc: {  	p0 =	por $0x0, $0x0;
	s7 =	sadd.s32 $0x2000, s3;
	s8 =	sor.u32 $0x1, s6  }
.LBB1_7:
0xd: {  	s15 =	sadd.s32 $0x80, s10  }
0xe: {  	s13 =	sadd.s32 $0x40, s11;
	s17 =	smov.u32 s11;
	p2 =	sgt.s32 s15, $0x1FF  }
0xf: {  	s17 =	smov.u32 @p2 s13  }
0x10: {  	s15 =	simm.s32 @p2 $0x0;
	p2 =	sgt.s32 s17, $0x1FF  }
0x11: {  	s17 =	smov.u32 @p2 s2;
	p2 =	sne.s32 s12, s8  }
.Ltmp1:
0x12: {  	p1 =	slt.u32 s12, $0x2;
	(pc) =	sbr.rel @!p2 .LBB1_8-.Ltmp1, $4  }
0x13: {  	s16 =	simm.s32 @!p1 $0x2  }
0x14: {  	s14 =	smov.u32 s11;
	p0 =	por !p0, !p0;
	_ =	swait.ge @!p1 [sflag:s16], $0x4000  }
0x15: {  	s13 =	smov.u32 s10;
	[sflag:s16] =	ssyncset.done @!p1 $0x0;
	s10 =	smov.u32 s15  }
0x16: {  	s12 =	sadd.s32 $0x1, s12;
	[sflag:s16] =	ssyncadd.s32 @!p1 $0xFFFFC000;
	s11 =	smov.u32 s17  }
.LBB1_1:
0x17: {  	p1 =	sge.u32 s12, s6  }
0x18: {  	s15 =	sxor.u32 @!p1 $0xFFFFFFFF, s12;
	s16 =	sshll.u32 @!p1 s11, $0xD  }
0x19: {  	s17 =	sshll.u32 @!p1 s10, $0x4;
	s19 =	simm.s32 @!p1 $0x40;
	s20 =	simm.s32 @!p1 $0x80  }
0x1a: {  	s15 =	sshll.u32 @!p1 s15, $0xE;
	s17 =	sand.u32 @!p1 $0x1FF0, s17;
	s18 =	sadd.s32 @!p1 s3, s16  }
0x1b: {  	s16 =	sadd.s32 @!p1 s16, s7;
	s15 =	sand.u32 @!p1 $0x4000, s15;
	s18 =	sadd.s32 @!p1 s17, s18  }
0x1c: {  	[tilespmem:s15], [sflag:$0x1] =	stream.strided.gather @!p1 [hbm4b:s18+s19], $0x2000, s20, s19, $0x38;
	[tilespmem:$0x10100] =	vst v63  }
0x1d: {  	s31 =	sadd.s32 $0xFFFFFFFF, s12;
	s16 =	sadd.s32 @!p1 s17, s16;
	s15 =	sor.u32 @!p1 $0x2000, s15  }
0x1e: {  	[tilespmem:s15], [sflag:$0x1] =	stream.strided.gather @!p1 [hbm4b:s16+s19], $0x2000, s20, s19, $0x38;
	[tilespmem:$0x10100] =	vst v63  }
0x1f: {  	p1 =	sge.u32 s31, s6  }
.Ltmp2:
0x20: {  	_ = 	snop;
	(pc) =	sbr.rel @p1 .LBB1_7-.Ltmp2, $1  }
0x21: {  	_ =	sdelay $0x3  }
0x22: {  	s15 =	simm.s32 $0x1;
	s17 =	sand.u32 $0x1, s12  }
0x23: {  	_ =	swait.ge [sflag:s5], $0x4000;
	s15 =	simm.s32 @!p0 $0x0;
	s17 =	smul.u32 $0x10200, s17  }
0x24: {  	p2 =	por $0x1, $0x1;
	[sflag:s5] =	ssyncset.done $0x0;
	s16 =	smul.u32 $0x10200, s15  }
0x25: {  	s18 =	sshll.u32 s15, $0x10;
	[sflag:s5] =	ssyncadd.s32 $0xFFFFC000;
	s30 =	sshrl.u32 s17, $0x2  }
0x26: {  	s31 =	sshrl.u32 s18, $0x2;
	s18 =	simm.s32 $0x0;
	s16 =	sshrl.u32 s16, $0x2  }
0x27: {  	s15 =	sor.u32 $0x8000, s30;
	s17 =	sadd.s32 $0x20, s31;
	s16 =	sor.u32 $0x8000, s16  }
.LBB1_3:
0x28: {  	s19 =	sshll.u32 s18, $0xD  }
0x29: {  	s19 =	sand.u32 $0x3FFFE000, s19  }
0x2a: {  	s21 =	sadd.s32 s19, s17  }
0x2b: {  	s31 =	smul.u32 $0x204, s18;
	v3 =	vld [tilespmem:s21+$0x10]  }
0x2c: {  	v1 =	vld [tilespmem:s21+$0xFFFFFFF0]  }
0x2d: {  	s18 =	sshra.s32 s31, $0x2;
	v0 =	vld [tilespmem:s21+$0x0]  }
0x2e: {  	s18 =	sadd.s32 s18, s16;
	v2 =	vld [tilespmem:s21+$0xFFFFFFE0]  }
0x2f: {  	s19 =	sadd.s32 $0x0, s18  }
0x30: {  	p1 =	por p2, p2;
	s20 =	simm.s32 $0x4;
	s21 =	sadd.s32 $0x40, s21;
	[tilespmem:s19+$0x3060 ss:$0x102] =	vst.msk $0xffff, v3  }
.LBB1_4:
0x31: {  	v3 =	vld [tilespmem:s21+$0x10];
	p2 =	sne.s32 s20, $0x1FC;
	[tilespmem:s19+$0x1020 ss:$0x102] =	vst.msk $0xffff, v1;
	s22 =	smov.u32 s20;
	s20 =	sadd.s32 $0x4, s20  }
.Ltmp3:
0x32: {  	v1 =	vld [tilespmem:s21+$0xFFFFFFF0];
	[tilespmem:s19+$0x2040 ss:$0x102] =	vst.msk $0xffff, v0;
	(pc) =	sbr.rel @p2 .LBB1_4-.Ltmp3, $4  }
0x33: {  	v0 =	vld [tilespmem:s21+$0x0];
	[tilespmem:s19+$0x0 ss:$0x102] =	vst.msk $0xffff, v2  }
0x34: {  	s19 =	sshra.s32 s22, $0x2;
	v2 =	vld [tilespmem:s21+$0xFFFFFFE0]  }
0x35: {  	s19 =	sadd.s32 s19, s18  }
0x36: {  	s21 =	sadd.s32 $0x40, s21;
	[tilespmem:s19+$0x3060 ss:$0x102] =	vst.msk $0xffff, v3  }
.Ltmp4:
0x37: {  	(pc) =	sbr.rel @p1 .LBB1_3-.Ltmp4, $4  }
0x38: {  	_ = 	snop  }
0x39: {  	[tilespmem:s19+$0x1020 ss:$0x102] =	vst.msk $0xffff, v1  }
0x3a: {  	[tilespmem:s19+$0x2040 ss:$0x102] =	vst.msk $0xffff, v0  }
0x3b: {  	s18 =	simm.s32 $0x1;
	p2 =	por $0x0, $0x0;
	[tilespmem:s19+$0x0 ss:$0x102] =	vst.msk $0xffff, v2  }
0x3c: {  	s16 =	sshll.u32 s14, $0x9  }
0x3d: {  	s17 =	sshll.u32 s13, $0x3;
	s30 =	sshll.u32 s14, $0x7;
	s16 =	sand.u32 $0x3F000, s16  }
0x3e: {  	s18 =	sand.u32 $0x78, s13;
	s14 =	sand.u32 $0x380, s30;
	s16 =	sadd.s32 s16, s17  }
.Ltmp5:
0x3f: {  	s14 =	sor.u32 s18, s14;
	s16 =	sand.u32 $0x3FC00, s16;
	(pc) =	sbr.rel .LBB1_7-.Ltmp5, $4  }
0x40: {  	s31 =	sand.u32 $0x7, s13;
	s14 =	sor.u32 s16, s14  }
0x41: {  	s13 =	sshll.u32 s31, $0x12;
	s14 =	sshrl.u32 s14, $0x3  }
0x42: {  	s13 =	sor.u32 $0x100, s13;
	s14 =	sadd.s32 s4, s14  }
0x43: {  	[hbm4b:s14+s13] =	stream.strided.scatter [tilespmem:s15], [sflag:$0x2], $0x4000, s9, s13, $0x20;
	[tilespmem:$0x10100] =	vst v63  }
.LBB1_8:
0x44: {  	_ =	sfence.sel $0x180000  }
0x45: {  	s2 =	simm.s32 $0x1;
	[bflag:$0x0] =	sbarrier.arrive $0xFFFF  }
0x46: {  	s31 =	simm.s32 $0x2;
	[sflag:s2] =	ssyncpa.u1 $0x1  }
0x47: {  	[sflag:s31] =	ssyncpa.u1 $0x1  }
0x48: {  	p0 =	sne.s32 s0, $0x0;
	_ =	strace $0x90000062  }
0x49: {  	s0 =	sadd.s32 @!p0 $0x100000, s1;
	[bflag:$0x2] =	sbarrier.arrive $0xFFFF  }
0x4a: {  	[sflag:s0] =	ssyncadd.tile.s32 @!p0 $0x1;
	_ =	shalt  }
.Lfunc_end1:
_tile_overlayer_lowered:
.L_overlay_start_2:
0x4b: {  	(tag) =	ssettag $0x2  }
0x4c: {  	s0 =	rddreg [dreg:$0x0];
	s2 =	stileid.u32  }
0x4d: {  	s1 =	rddreg [dreg:$0x1];
	p0 =	sne.s32 s2, $0x0  }
0x4e: {  	s3 =	rddreg [dreg:$0x2];
	[bflag:$0x3] =	sbarrier.arrive $0xFFFF;
	s2 =	simm.s32 @!p0 $0x1C01  }
0x4f: {  	[timem:s3], [sflag:s2] =	dma.local @!p0 [hbm:s0], s1  }
0x50: {  	s0 =	simm.s32 @!p0 $0x1  }
0x51: {  	_ =	swait.ge @!p0 [sflag:s0], s1  }
0x52: {  	s1 =	ssub.s32 @!p0 $0x0, s1;
	[sflag:s0] =	ssyncset.done @!p0 $0x0  }
0x53: {  	[sflag:s0] =	ssyncadd.s32 @!p0 s1  }
0x54: {  	[bflag:$0x3] =	sbarrier.arrive $0xFFFF  }
0x55: {  	_ =	shalt  }

// kernel: sparse-core-data-format-call.cloned.1.call-start
scs
called_computation_lowered:
.L_overlay_start_0:
0x0: {  	s2 =	sld [smem:$0x3FD9]  }
0x1: {  	s3 =	sld [smem:$0x3FFE];
	_ =	sdelay $0x1  }
0x2: {  	s1 =	srdreg.scid  }
0x3: {  	s0 =	sand.u32 $0x1, s1  }
0x4: {  	s18 =	sshll.u32 s0, $0xA;
	s2 =	sadd.s32 s3, s2  }
0x5: {  	s2 =	sadd.s32 s2, s18  }
0x6: {  	[smem:$0x3FBF] =	sst s2  }
0x7: {  	_ = 	snop  }
0x8: {  	(tm) =	ssettm $0x1  }
0x9: {  	s19 =	sld [smem:$0x3FFB];
	_ =	sdelay $0x3  }
0xa: {  	_ =	strace s19  }
0xb: {  	s2 =	sld [smem:$0x3FFC];
	_ =	sdelay $0x3  }
0xc: {  	_ =	strace s2  }
0xd: {  	s2 =	sld [smem:$0x3FFD];
	_ =	sdelay $0x3  }
0xe: {  	_ =	strace s2  }
0xf: {  	_ =	strace $0x8FFFFFFF  }
0x10: {  	s20 =	sld [smem:$0x3FDB];
	_ =	sdelay $0x1  }
0x11: {  	s21 =	simm.s32 $_scs_section_size  }
0x12: {  	s4 =	simm.s32 $_size__tile_overlayer_lowered;
	s5 =	simm.s32 $_tile_overlayer_lowered  }
0x13: {  	s6 =	simm.s32 $0x1BFF;
	s22 =	sshll.u32 s5, $0x1;
	s3 =	sadd.s32 s21, s20  }
0x14: {  	s23 =	simm.s32 $0x0;
	s4 =	sshll.u32 s4, $0x1;
	s5 =	sadd.s32 s22, s3  }
0x15: {  	[timem:s23], [sflag:s6] =	dma.local [hbm:s5], s4  }
0x16: {  	_ =	swait.ge [sflag:s6], s4  }
0x17: {  	s4 =	ssub.s32 $0x0, s4;
	[sflag:s6] =	ssyncset.done $0x0  }
0x18: {  	[sflag:s6] =	ssyncadd.s32 s4;
	_ =	sdelay $0x1  }
0x19: {  	s24 =	simm.s32 $0x1B8B  }
0x1a: {  	_ =	swait.ge [sflag:s24], $0x1  }
0x1b: {  	[sflag:s24] =	ssyncset.done $0x0  }
0x1c: {  	[sflag:s24] =	ssyncadd.s32 $0xFFFFFFFF  }
0x1d: {  	s4 =	sld [smem:$0x0]  }
0x1e: {  	s5 =	sand.u32 $0xFFFFFFFE, s1  }
0x1f: {  	p0 =	sne.s32 s1, s5  }
0x20: {  	s5 =	sshll.u32 @p0 s5, $0xE  }
0x21: {  	s5 =	sadd.s32 @p0 $0x11B8D, s5;
	s6 =	sshll.u32 @p0 s4, $0x11  }
0x22: {  	s5 =	sor.u32 @p0 s6, s5  }
0x23: {  	[sflag:s5] =	ssyncadd.remote.s32 @p0 $0x1;
	_ =	sdelay $0x1  }
0x24: {  	s5 =	simm.s32 @p0 $0x1B8D  }
0x25: {  	_ =	swait.eq @p0 [sflag:s5], $0x1  }
0x26: {  	[sflag:s5] =	ssyncadd.s32 @p0 $0xFFFFFFFF  }
0x27: {  	s6 =	sshll.u32 @!p0 s1, $0xE  }
0x28: {  	s6 =	sor.u32 @!p0 $0x4000, s6;
	s5 =	simm.s32 @!p0 $0x1B8D  }
0x29: {  	s4 =	sshll.u32 @!p0 s4, $0x11;
	s6 =	sadd.s32 @!p0 $0x11B8D, s6;
	_ =	swait.eq @!p0 [sflag:s5], $0x1  }
0x2a: {  	s4 =	sor.u32 @!p0 s4, s6;
	[sflag:s5] =	ssyncadd.s32 @!p0 $0xFFFFFFFF  }
0x2b: {  	s26 =	simm.s32 $0x1B8E;
	s25 =	sld [smem:$0x3FFE];
	[sflag:s4] =	ssyncadd.remote.s32 @!p0 $0x1  }
0x2c: {  	s27 =	simm.s32 $execute0_lowered;
	[smem:$0x3FD2] =	sst s26  }
0x2d: {  	s5 =	sshll.u32 s27, $0x1;
	_ =	strace $0x8000005E;
	[dreg:$0x1] =	wrdreg $0xFFFFFFFF  }
0x2e: {  	s28 =	simm.s32 $_size_execute0_lowered;
	s3 =	sadd.s32 s3, s5;
	[dreg:$0x0] =	wrdreg $0x0  }
0x2f: {  	s5 =	sshll.u32 s28, $0x1;
	[dreg:$0x2] =	wrdreg s3  }
0x30: {  	[dreg:$0x3] =	wrdreg s5  }
0x31: {  	[dreg:$0x4] =	wrdreg $0xC0  }
0x32: {  	_ =	task [dreg:s23], $0x5FFFF  }
0x33: {  	[dreg:$0x1] =	wrdreg $0xFFFFFFFF  }
0x34: {  	[dreg:$0x0] =	wrdreg $0x60  }
0x35: {  	[dreg:$0x2] =	wrdreg s25  }
0x36: {  	[dreg:$0x3] =	wrdreg $0xB  }
0x37: {  	_ =	task.clear_ibuf [dreg:s23], $0x4FFFF;
	_ =	strace $0x9000005E  }
0x38: {  	s29 =	simm.s32 $0xB;
	_ =	strace $0x80000060  }
0x39: {  	_ =	swait.ge [sflag:s29], $0x1  }
0x3a: {  	[sflag:s29] =	ssyncadd.s32 $0xFFFFFFFF  }
0x3b: {  	_ =	strace $0x90000060  }
0x3c: {  	_ =	sfence  }
0x3d: {  	s30 =	sld [smem:$0x0];
	_ =	sdelay $0x2  }
0x3e: {  	s31 =	sshll.u32 s1, $0xD;
	s1 =	sshrl.u32 s1, $0x2  }
0x3f: {  	s4 =	sand.u32 $0x4000, s31;
	s1 =	sadd.s32 s1, s30  }
0x40: {  	s0 =	sor.u32 s4, s0;
	s1 =	sshll.u32 s1, $0x11  }
0x41: {  	s0 =	sor.u32 s1, s0  }
0x42: {  	s0 =	sadd.s32 $0x8F2B, s0  }
0x43: {  	[sflag:s0] =	ssyncadd.remote.s32 $0x1  }
0x44: {  	_ =	sfence.sel $0xFFFF  }
0x45: {  	[dreg:$0x0] =	wrdreg $0xFFFFFFFF;
	(pc) =	sbr.abs _section_cstart, $3  }
0x46: {  	[dreg:$0x1] =	wrdreg $0xFFFFFFFF  }
0x47: {  	_ =	task.clear_ibuf [dreg:s23], $0x2FFFF;
	_ =	strace $0x9FFFFFFF  }
0x48: {  	(tm) =	ssettm $0x7FFFFFFF  }
0x49: {  	_ =	shalt  }
tec
execute0_lowered:
.L_overlay_start_1:
0x0: {  	(tag) =	ssettag $0x1  }
0x1: {  	s0 =	srdreg.scid  }
0x2: {  	s7 =	rddreg [dreg:$0x0];
	s1 =	sshll.u32 s0, $0x4  }
0x3: {  	s6 =	simm.s32 $0x1;
	s0 =	stileid.u32;
	s1 =	sand.u32 $0x10, s1  }
0x4: {  	s5 =	simm.s32 $0x1;
	s31 =	simm.s32 $0x2;
	s1 =	sor.u32 s0, s1  }
0x5: {  	s13 =	simm.s32 $0x0;
	s9 =	simm.s32 $0x40000;
	s2 =	sshll.u32 s1, $0x1  }
0x6: {  	s14 =	simm.s32 $0x0;
	s10 =	simm.s32 $0x0;
	s4 =	ssub.s32 $0x200, s2  }
0x7: {  	s12 =	simm.s32 $0x0;
	s1 =	rddreg [dreg:$0x1];
	s3 =	sand.u32 $0x3E, s4  }
.Ltmp0:
0x8: {  	_ =	strace $0x8000005F;
	p0 =	sne.s32 s3, $0x0;
	(pc) =	sbr.rel .LBB1_1-.Ltmp0, $4  }
0x9: {  	[sflag:s5] =	ssyncpa.u1 $0x0;
	s8 =	sshrl.u32 s4, $0x6;
	s6 =	simm.s32 @!p0 $0x0  }
0xa: {  	s11 =	smov.u32 s2;
	s4 =	sadd.s32 $0x47F400, s7;
	s6 =	sadd.s32 s6, s8  }
0xb: {  	[sflag:s31] =	ssyncpa.u1 $0x0;
	s3 =	sadd.s32 $0x1800, s7;
	s6 =	sshll.u32 s6, $0x2  }
0xc: {  	s7 =	sadd.s32 $0x3800, s7;
	p0 =	por $0x0, $0x0;
	s8 =	sor.u32 $0x1, s6  }
.LBB1_7:
0xd: {  	s15 =	sadd.s32 $0x80, s10  }
0xe: {  	s13 =	sadd.s32 $0x40, s11;
	s17 =	smov.u32 s11;
	p2 =	sgt.s32 s15, $0x1FF  }
0xf: {  	s17 =	smov.u32 @p2 s13  }
0x10: {  	s15 =	simm.s32 @p2 $0x0;
	p2 =	sgt.s32 s17, $0x1FF  }
0x11: {  	s17 =	smov.u32 @p2 s2;
	p2 =	sne.s32 s12, s8  }
.Ltmp1:
0x12: {  	p1 =	slt.u32 s12, $0x2;
	(pc) =	sbr.rel @!p2 .LBB1_8-.Ltmp1, $4  }
0x13: {  	s16 =	simm.s32 @!p1 $0x2  }
0x14: {  	s14 =	smov.u32 s11;
	p0 =	por !p0, !p0;
	_ =	swait.ge @!p1 [sflag:s16], $0x4000  }
0x15: {  	s13 =	smov.u32 s10;
	[sflag:s16] =	ssyncset.done @!p1 $0x0;
	s10 =	smov.u32 s15  }
0x16: {  	s12 =	sadd.s32 $0x1, s12;
	[sflag:s16] =	ssyncadd.s32 @!p1 $0xFFFFC000;
	s11 =	smov.u32 s17  }
.LBB1_1:
0x17: {  	p1 =	sge.u32 s12, s6  }
0x18: {  	s15 =	sxor.u32 @!p1 $0xFFFFFFFF, s12;
	s16 =	sshll.u32 @!p1 s11, $0xD  }
0x19: {  	s17 =	sshll.u32 @!p1 s10, $0x4;
	s19 =	simm.s32 @!p1 $0x40;
	s20 =	simm.s32 @!p1 $0x80  }
0x1a: {  	s15 =	sshll.u32 @!p1 s15, $0xE;
	s17 =	sand.u32 @!p1 $0x1FF0, s17;
	s18 =	sadd.s32 @!p1 s3, s16  }
0x1b: {  	s16 =	sadd.s32 @!p1 s16, s7;
	s15 =	sand.u32 @!p1 $0x4000, s15;
	s18 =	sadd.s32 @!p1 s17, s18  }
0x1c: {  	[tilespmem:s15], [sflag:$0x1] =	stream.strided.gather @!p1 [hbm4b:s18+s19], $0x2000, s20, s19, $0x38;
	[tilespmem:$0x10100] =	vst v63  }
0x1d: {  	s31 =	sadd.s32 $0xFFFFFFFF, s12;
	s16 =	sadd.s32 @!p1 s17, s16;
	s15 =	sor.u32 @!p1 $0x2000, s15  }
0x1e: {  	[tilespmem:s15], [sflag:$0x1] =	stream.strided.gather @!p1 [hbm4b:s16+s19], $0x2000, s20, s19, $0x38;
	[tilespmem:$0x10100] =	vst v63  }
0x1f: {  	p1 =	sge.u32 s31, s6  }
.Ltmp2:
0x20: {  	_ = 	snop;
	(pc) =	sbr.rel @p1 .LBB1_7-.Ltmp2, $1  }
0x21: {  	_ =	sdelay $0x3  }
0x22: {  	s15 =	simm.s32 $0x1;
	s17 =	sand.u32 $0x1, s12  }
0x23: {  	_ =	swait.ge [sflag:s5], $0x4000;
	s15 =	simm.s32 @!p0 $0x0;
	s17 =	smul.u32 $0x10200, s17  }
0x24: {  	p2 =	por $0x1, $0x1;
	[sflag:s5] =	ssyncset.done $0x0;
	s16 =	smul.u32 $0x10200, s15  }
0x25: {  	s18 =	sshll.u32 s15, $0x10;
	[sflag:s5] =	ssyncadd.s32 $0xFFFFC000;
	s30 =	sshrl.u32 s17, $0x2  }
0x26: {  	s31 =	sshrl.u32 s18, $0x2;
	s18 =	simm.s32 $0x0;
	s16 =	sshrl.u32 s16, $0x2  }
0x27: {  	s15 =	sor.u32 $0x8000, s30;
	s17 =	sadd.s32 $0x20, s31;
	s16 =	sor.u32 $0x8000, s16  }
.LBB1_3:
0x28: {  	s19 =	sshll.u32 s18, $0xD  }
0x29: {  	s19 =	sand.u32 $0x3FFFE000, s19  }
0x2a: {  	s21 =	sadd.s32 s19, s17  }
0x2b: {  	s31 =	smul.u32 $0x204, s18;
	v3 =	vld [tilespmem:s21+$0x10]  }
0x2c: {  	v1 =	vld [tilespmem:s21+$0xFFFFFFF0]  }
0x2d: {  	s18 =	sshra.s32 s31, $0x2;
	v0 =	vld [tilespmem:s21+$0x0]  }
0x2e: {  	s18 =	sadd.s32 s18, s16;
	v2 =	vld [tilespmem:s21+$0xFFFFFFE0]  }
0x2f: {  	s19 =	sadd.s32 $0x0, s18  }
0x30: {  	p1 =	por p2, p2;
	s20 =	simm.s32 $0x4;
	s21 =	sadd.s32 $0x40, s21;
	[tilespmem:s19+$0x3060 ss:$0x102] =	vst.msk $0xffff, v3  }
.LBB1_4:
0x31: {  	v3 =	vld [tilespmem:s21+$0x10];
	p2 =	sne.s32 s20, $0x1FC;
	[tilespmem:s19+$0x1020 ss:$0x102] =	vst.msk $0xffff, v1;
	s22 =	smov.u32 s20;
	s20 =	sadd.s32 $0x4, s20  }
.Ltmp3:
0x32: {  	v1 =	vld [tilespmem:s21+$0xFFFFFFF0];
	[tilespmem:s19+$0x2040 ss:$0x102] =	vst.msk $0xffff, v0;
	(pc) =	sbr.rel @p2 .LBB1_4-.Ltmp3, $4  }
0x33: {  	v0 =	vld [tilespmem:s21+$0x0];
	[tilespmem:s19+$0x0 ss:$0x102] =	vst.msk $0xffff, v2  }
0x34: {  	s19 =	sshra.s32 s22, $0x2;
	v2 =	vld [tilespmem:s21+$0xFFFFFFE0]  }
0x35: {  	s19 =	sadd.s32 s19, s18  }
0x36: {  	s21 =	sadd.s32 $0x40, s21;
	[tilespmem:s19+$0x3060 ss:$0x102] =	vst.msk $0xffff, v3  }
.Ltmp4:
0x37: {  	(pc) =	sbr.rel @p1 .LBB1_3-.Ltmp4, $4  }
0x38: {  	_ = 	snop  }
0x39: {  	[tilespmem:s19+$0x1020 ss:$0x102] =	vst.msk $0xffff, v1  }
0x3a: {  	[tilespmem:s19+$0x2040 ss:$0x102] =	vst.msk $0xffff, v0  }
0x3b: {  	s18 =	simm.s32 $0x1;
	p2 =	por $0x0, $0x0;
	[tilespmem:s19+$0x0 ss:$0x102] =	vst.msk $0xffff, v2  }
0x3c: {  	s16 =	sshll.u32 s14, $0x9  }
0x3d: {  	s17 =	sshll.u32 s13, $0x3;
	s30 =	sshll.u32 s14, $0x7;
	s16 =	sand.u32 $0x3F000, s16  }
0x3e: {  	s18 =	sand.u32 $0x78, s13;
	s14 =	sand.u32 $0x380, s30;
	s16 =	sadd.s32 s16, s17  }
.Ltmp5:
0x3f: {  	s14 =	sor.u32 s18, s14;
	s16 =	sand.u32 $0x3FC00, s16;
	(pc) =	sbr.rel .LBB1_7-.Ltmp5, $4  }
0x40: {  	s31 =	sand.u32 $0x7, s13;
	s14 =	sor.u32 s16, s14  }
0x41: {  	s13 =	sshll.u32 s31, $0x12;
	s14 =	sshrl.u32 s14, $0x3  }
0x42: {  	s13 =	sor.u32 $0x100, s13;
	s14 =	sadd.s32 s4, s14  }
0x43: {  	[hbm4b:s14+s13] =	stream.strided.scatter [tilespmem:s15], [sflag:$0x2], $0x4000, s9, s13, $0x20;
	[tilespmem:$0x10100] =	vst v63  }
.LBB1_8:
0x44: {  	_ =	sfence.sel $0x180000  }
0x45: {  	s2 =	simm.s32 $0x1;
	[bflag:$0x0] =	sbarrier.arrive $0xFFFF  }
0x46: {  	s31 =	simm.s32 $0x2;
	[sflag:s2] =	ssyncpa.u1 $0x1  }
0x47: {  	[sflag:s31] =	ssyncpa.u1 $0x1  }
0x48: {  	p0 =	sne.s32 s0, $0x0;
	_ =	strace $0x9000005F  }
0x49: {  	s0 =	sadd.s32 @!p0 $0x100000, s1;
	[bflag:$0x2] =	sbarrier.arrive $0xFFFF  }
0x4a: {  	[sflag:s0] =	ssyncadd.tile.s32 @!p0 $0x1;
	_ =	shalt  }
.Lfunc_end1:
_tile_overlayer_lowered:
.L_overlay_start_2:
0x4b: {  	(tag) =	ssettag $0x2  }
0x4c: {  	s0 =	rddreg [dreg:$0x0];
	s2 =	stileid.u32  }
0x4d: {  	s1 =	rddreg [dreg:$0x1];
	p0 =	sne.s32 s2, $0x0  }
0x4e: {  	s3 =	rddreg [dreg:$0x2];
	[bflag:$0x3] =	sbarrier.arrive $0xFFFF;
	s2 =	simm.s32 @!p0 $0x1C01  }
0x4f: {  	[timem:s3], [sflag:s2] =	dma.local @!p0 [hbm:s0], s1  }
0x50: {  	s0 =	simm.s32 @!p0 $0x1  }
0x51: {  	_ =	swait.ge @!p0 [sflag:s0], s1  }
0x52: {  	s1 =	ssub.s32 @!p0 $0x0, s1;
	[sflag:s0] =	ssyncset.done @!p0 $0x0  }
0x53: {  	[sflag:s0] =	ssyncadd.s32 @!p0 s1  }
0x54: {  	[bflag:$0x3] =	sbarrier.arrive $0xFFFF  }
0x55: {  	_ =	shalt  }

</sc_bundles>
